<compile_context>
chip_gen: v7x
topology: tpu7x:2x2x1
jax: 0.10.2.dev20260603
libtpu: 0.0.44.dev20260713+nightly
codegen_flags: <defaults>
</compile_context>

<pallas_src>
import functools

import jax
import jax.numpy as jnp
from jax import lax
from jax.experimental import pallas as pl
from jax.experimental.pallas import tpu as pltpu
from jax.experimental.pallas import tpu_sc as plsc

Q = 1024
DIM = 16
NKEYS = 100000
KNN = 16
CHUNK = 1024
NCHUNKS = 98
CHANNELS = 64
PAD = 128
BIG_I = 2147483647


def _search_body(q_ref, k_ref, w_ref, topi_ref, topd_ref, masked_ref):
    step = pl.program_id(0)

    q = q_ref[...]
    k = k_ref[...]
    qs = jnp.sum(q * q, axis=1, keepdims=True)
    gidx = step * CHUNK + lax.broadcasted_iota(jnp.int32, (1, CHUNK), 1)
    ks = jnp.where(gidx < NKEYS, jnp.sum(k * k, axis=1)[None, :], jnp.inf)
    d2 = qs + ks - 2.0 * lax.dot_general(
        q, k, (((1,), (1,)), ((), ())), preferred_element_type=jnp.float32
    )
    ci = jnp.broadcast_to(gidx, d2.shape)

    pad_d = jnp.full((Q, PAD - KNN), jnp.inf, jnp.float32)
    pad_i = jnp.full((Q, PAD - KNN), BIG_I, jnp.int32)

    @pl.when(step == 0)
    def _first():
        cd = d2
        cdi = ci
        new_d = []
        new_i = []
        for _ in range(KNN):
            m = jnp.min(cd, axis=1, keepdims=True)
            is_min = cd == m
            sel = jnp.min(jnp.where(is_min, cdi, BIG_I), axis=1, keepdims=True)
            new_d.append(m)
            new_i.append(sel)
            cd = jnp.where(is_min & (cdi == sel), jnp.inf, cd)
        topd_ref[...] = jnp.concatenate(new_d + [pad_d], axis=1)
        topi_ref[...] = jnp.concatenate(new_i + [pad_i], axis=1)

    @pl.when(step > 0)
    def _merge():
        run_d = topd_ref[:, :KNN]
        run_i = topi_ref[:, :KNN]
        thresh = run_d[:, KNN - 1 : KNN]
        surv = d2 < thresh
        masked_ref[...] = jnp.where(surv, d2, jnp.inf)
        n_surv = jnp.max(jnp.sum(surv.astype(jnp.int32), axis=1))
        klane = lax.broadcasted_iota(jnp.int32, (Q, KNN), 1)

        def body(_, carry):
            rd, ri = carry
            cd = masked_ref[...]
            m = jnp.min(cd, axis=1, keepdims=True)
            is_min = cd == m
            sel = jnp.min(jnp.where(is_min, ci, BIG_I), axis=1, keepdims=True)
            masked_ref[...] = jnp.where(is_min & (ci == sel), jnp.inf, cd)
            less = (rd < m) | ((rd == m) & (ri < sel))
            pos = jnp.sum(less.astype(jnp.int32), axis=1, keepdims=True)
            shift_d = jnp.concatenate([rd[:, :1], rd[:, : KNN - 1]], axis=1)
            shift_i = jnp.concatenate([ri[:, :1], ri[:, : KNN - 1]], axis=1)
            rd = jnp.where(klane < pos, rd, jnp.where(klane == pos, m, shift_d))
            ri = jnp.where(klane < pos, ri, jnp.where(klane == pos, sel, shift_i))
            return rd, ri

        run_d, run_i = lax.fori_loop(0, n_surv, body, (run_d, run_i))
        topd_ref[...] = jnp.concatenate([run_d, pad_d], axis=1)
        topi_ref[...] = jnp.concatenate([run_i, pad_i], axis=1)

    @pl.when(step == NCHUNKS - 1)
    def _finish():
        wnd = jnp.exp(-0.5 * topd_ref[:, :KNN])
        lane_k = lax.broadcasted_iota(jnp.int32, (Q, KNN * 16), 1) // 16
        wide = jnp.zeros((Q, KNN * 16), jnp.float32)
        for kk in range(KNN):
            wide = wide + jnp.where(lane_k == kk, wnd[:, kk : kk + 1], 0.0)
        w_ref[...] = wide


def _run_search(queries, keys_padded):
    w, topi, _ = pl.pallas_call(
        _search_body,
        grid=(NCHUNKS,),
        in_specs=[
            pl.BlockSpec((Q, DIM), lambda i: (0, 0)),
            pl.BlockSpec((CHUNK, DIM), lambda i: (i, 0)),
        ],
        out_specs=[
            pl.BlockSpec((Q, KNN * 16), lambda i: (0, 0)),
            pl.BlockSpec((Q, PAD), lambda i: (0, 0)),
            pl.BlockSpec((Q, PAD), lambda i: (0, 0)),
        ],
        out_shape=[
            jax.ShapeDtypeStruct((Q, KNN * 16), jnp.float32),
            jax.ShapeDtypeStruct((Q, PAD), jnp.int32),
            jax.ShapeDtypeStruct((Q, PAD), jnp.float32),
        ],
        scratch_shapes=[pltpu.VMEM((Q, CHUNK), jnp.float32)],
    )(queries, keys_padded)
    return w, topi[:, :KNN]


def _make_expand():
    info = plsc.get_sparse_core_info()
    nc, ns = info.num_cores, info.num_subcores
    nw = nc * ns
    qw = Q // nw
    rows_w = qw * KNN
    ngather = rows_w // 128
    mesh = plsc.VectorSubcoreMesh(core_axis_name="c", subcore_axis_name="s")

    @functools.partial(
        pl.kernel,
        mesh=mesh,
        out_type=jax.ShapeDtypeStruct((Q, CHANNELS), jnp.float32),
        compiler_params=pltpu.CompilerParams(use_tc_tiling_on_sc=False),
        scratch_types=[
            pltpu.VMEM((ngather, 128), jnp.int32),
            pltpu.VMEM((rows_w, 16), jnp.float32),
            pltpu.VMEM((rows_w, CHANNELS), jnp.float32),
            pltpu.VMEM((qw, CHANNELS), jnp.float32),
            pltpu.SemaphoreType.DMA,
        ],
    )
    def expand(alpha_hbm, idx_hbm, w_hbm, out_hbm, idx_v, w_v, rows_v, out_v, sem):
        wid = lax.axis_index("s") * nc + lax.axis_index("c")
        pltpu.sync_copy(idx_hbm.at[pl.ds(wid * ngather, ngather)], idx_v)
        pltpu.sync_copy(w_hbm.at[pl.ds(wid * rows_w, rows_w)], w_v)
        copies = [
            pltpu.async_copy(
                alpha_hbm.at[idx_v.at[j]],
                rows_v.at[pl.ds(j * 128, 128)],
                sem,
            )
            for j in range(ngather)
        ]
        for c in copies:
            c.wait()

        def body(qq, carry):
            accs = [jnp.zeros((16,), jnp.float32) for _ in range(CHANNELS // 16)]
            for kk in range(KNN):
                i = qq * KNN + kk
                wsp = w_v[i, pl.ds(0, 16)]
                for c in range(CHANNELS // 16):
                    accs[c] = accs[c] + wsp * rows_v[i, pl.ds(c * 16, 16)]
            for c in range(CHANNELS // 16):
                out_v[qq, pl.ds(c * 16, 16)] = accs[c]
            return carry

        lax.fori_loop(0, qw, body, 0)
        pltpu.sync_copy(out_v, out_hbm.at[pl.ds(wid * qw, qw)])

    return expand


def kernel(queries, keys, alpha):
    keys_padded = jnp.concatenate(
        [keys, jnp.zeros((NCHUNKS * CHUNK - NKEYS, DIM), keys.dtype)], axis=0
    )
    w_wide, topi = _run_search(queries, keys_padded)
    idx_rows = topi.reshape(-1, 128)
    w_rows = w_wide.reshape(-1, 16)
    expand = _make_expand()
    out_qc = expand(alpha, idx_rows, w_rows)
    return out_qc.T

# --- scband reference (transcript-rebuilt; emitter-appended) ---
"""Pipeline reference for scband-knn-expansion-30829275251161 (READ-ONLY COPY).

The authoritative reference and input builder live on the scoring server;
editing this copy changes nothing except your own understanding.
"""

import jax, jax.numpy as jnp
import numpy as np

SIGMA = 1.0
K_NEIGHBORS = 16

def setup_inputs(seed: int = 0) -> dict:
    key = jax.random.key(seed)
    k1, k2, k3 = jax.random.split(key, 3)
    queries = jax.random.normal(k1, (1024, 16), dtype=jnp.float32)
    keys = jax.random.normal(k2, (100000, 16), dtype=jnp.float32)
    alpha = jax.random.normal(k3, (100000, 64), dtype=jnp.float32)
    return {"queries": queries, "keys": keys, "alpha": alpha}

def reference(queries, keys, alpha):
    # knn.search(x, k): brute-force L2 search over the key set
    q_sq = jnp.sum(queries * queries, axis=1, keepdims=True)      # [Q, 1]
    k_sq = jnp.sum(keys * keys, axis=1)                            # [K]
    d2 = q_sq + k_sq[None, :] - 2.0 * (queries @ keys.T)           # [Q, K] squared L2 distances
    neg_d, idx = jax.lax.top_k(-d2, K_NEIGHBORS)                   # smallest-k distances
    d = -neg_d                                                     # [Q, k]
    # alpha_[i].permute(2, 0, 1) -> [C, Q, k]
    a = alpha[idx]                                                 # [Q, k, C] gather
    a = jnp.transpose(a, (2, 0, 1))                                # [C, Q, k]
    w = jnp.exp(-0.5 * d / (SIGMA ** 2))                           # [Q, k]
    out = jnp.sum(a * w[None, :, :], axis=2)                       # [C, Q]
    return out

if __name__ == "__main__":
    import jax
    _d = setup_inputs()
    print(jax.jit(kernel)(*tuple(_d.values())))

</pallas_src>

<mosaic_0001>
#map = affine_map<(d0, d1) -> (0, 0)>
module attributes {stable_mosaic.version = 14 : i64} {
  func.func @expand(%arg0: i32, %arg1: i32, %arg2: memref<100000x64xf32, #tpu.memory_space<hbm>>, %arg3: memref<128x128xi32, #tpu.memory_space<hbm>>, %arg4: memref<16384x16xf32, #tpu.memory_space<hbm>>, %arg5: memref<1024x64xf32, #tpu.memory_space<hbm>>, %arg6: memref<4x128xi32, #tpu.memory_space<vmem>>, %arg7: memref<512x16xf32, #tpu.memory_space<vmem>>, %arg8: memref<512x64xf32, #tpu.memory_space<vmem>>, %arg9: memref<32x64xf32, #tpu.memory_space<vmem>>, %arg10: memref<!tpu.dma_semaphore, #tpu.memory_space<semaphore_mem>>) attributes {dimension_semantics = [#tpu.dimension_semantics<core_parallel>, #tpu.dimension_semantics<subcore_parallel>], iteration_bounds = array<i64: 2, 16>, scalar_prefetch = 0 : i64, scratch_operands = 5 : i64, tpu.core_type = #tpu.core_type<sc_vector_subcore>, window_params = [{transform_indices = #map}, {transform_indices = #map}, {transform_indices = #map}, {transform_indices = #map}]} {
    %mul3A = arith.constant 2 : i32
    %mul3A_0 = arith.muli %arg1, %mul3A : i32
    %add3A = arith.addi %mul3A_0, %arg0 : i32
    %mul3A_1 = arith.constant 4 : i32
    %mul3A_2 = arith.muli %add3A, %mul3A_1 : i32
    "tpu.region"() ({
      %run_scoped3A = tpu.sem_alloc : memref<!tpu.dma_semaphore, #tpu.memory_space<semaphore_mem>>
      %dma_start3A_90 = arith.constant 0 : i32
      %dma_start3A_91 = tpu.memref_slice %arg3[%mul3A_2, %dma_start3A_90] : memref<128x128xi32, #tpu.memory_space<hbm>> -> memref<4x128xi32, #tpu.memory_space<hbm>>
      %dma_start3A_92 = arith.constant 0 : i32
      %dma_start3A_93 = tpu.memref_slice %arg3[%mul3A_2, %dma_start3A_92] : memref<128x128xi32, #tpu.memory_space<hbm>> -> memref<4x128xi32, #tpu.memory_space<hbm>>
      tpu.enqueue_dma source(%dma_start3A_93 : memref<4x128xi32, #tpu.memory_space<hbm>>) target(%arg6 : memref<4x128xi32, #tpu.memory_space<vmem>>) target_semaphore(%run_scoped3A : memref<!tpu.dma_semaphore, #tpu.memory_space<semaphore_mem>>)
      %dma_wait3A_94 = arith.constant 0 : i32
      %dma_wait3A_95 = tpu.memref_slice %arg3[%mul3A_2, %dma_wait3A_94] : memref<128x128xi32, #tpu.memory_space<hbm>> -> memref<4x128xi32, #tpu.memory_space<hbm>>
      %dma_wait3A_96 = arith.constant 0 : i32
      %dma_wait3A_97 = tpu.memref_slice %arg3[%mul3A_2, %dma_wait3A_96] : memref<128x128xi32, #tpu.memory_space<hbm>> -> memref<4x128xi32, #tpu.memory_space<hbm>>
      tpu.wait_dma2 semaphore(%run_scoped3A : memref<!tpu.dma_semaphore, #tpu.memory_space<semaphore_mem>>) src(%dma_wait3A_97 : memref<4x128xi32, #tpu.memory_space<hbm>>) dst(%arg6 : memref<4x128xi32, #tpu.memory_space<vmem>>)
      tpu.yield
    }) : () -> ()
    %mul3A_3 = arith.constant 512 : i32
    %mul3A_4 = arith.muli %add3A, %mul3A_3 : i32
    "tpu.region"() ({
      %run_scoped3A = tpu.sem_alloc : memref<!tpu.dma_semaphore, #tpu.memory_space<semaphore_mem>>
      %dma_start3A_90 = arith.constant 0 : i32
      %dma_start3A_91 = tpu.memref_slice %arg4[%mul3A_4, %dma_start3A_90] : memref<16384x16xf32, #tpu.memory_space<hbm>> -> memref<512x16xf32, #tpu.memory_space<hbm>>
      %dma_start3A_92 = arith.constant 0 : i32
      %dma_start3A_93 = tpu.memref_slice %arg4[%mul3A_4, %dma_start3A_92] : memref<16384x16xf32, #tpu.memory_space<hbm>> -> memref<512x16xf32, #tpu.memory_space<hbm>>
      tpu.enqueue_dma source(%dma_start3A_93 : memref<512x16xf32, #tpu.memory_space<hbm>>) target(%arg7 : memref<512x16xf32, #tpu.memory_space<vmem>>) target_semaphore(%run_scoped3A : memref<!tpu.dma_semaphore, #tpu.memory_space<semaphore_mem>>)
      %dma_wait3A_94 = arith.constant 0 : i32
      %dma_wait3A_95 = tpu.memref_slice %arg4[%mul3A_4, %dma_wait3A_94] : memref<16384x16xf32, #tpu.memory_space<hbm>> -> memref<512x16xf32, #tpu.memory_space<hbm>>
      %dma_wait3A_96 = arith.constant 0 : i32
      %dma_wait3A_97 = tpu.memref_slice %arg4[%mul3A_4, %dma_wait3A_96] : memref<16384x16xf32, #tpu.memory_space<hbm>> -> memref<512x16xf32, #tpu.memory_space<hbm>>
      tpu.wait_dma2 semaphore(%run_scoped3A : memref<!tpu.dma_semaphore, #tpu.memory_space<semaphore_mem>>) src(%dma_wait3A_97 : memref<512x16xf32, #tpu.memory_space<hbm>>) dst(%arg7 : memref<512x16xf32, #tpu.memory_space<vmem>>)
      tpu.yield
    }) : () -> ()
    %dma_start3A = arith.constant 0 : i32
    %dma_start3A_5 = arith.constant 0 : i32
    %dma_start3A_6 = arith.constant 0 : i32
    %dma_start3A_7 = tpu.memref_slice %arg8[%dma_start3A_5, %dma_start3A_6] : memref<512x64xf32, #tpu.memory_space<vmem>> -> memref<128x64xf32, #tpu.memory_space<vmem>>
    %dma_start3A_8 = arith.constant 0 : i32
    %dma_start3A_9 = tpu.memref_slice %arg6[%dma_start3A, %dma_start3A_8] : memref<4x128xi32, #tpu.memory_space<vmem>> -> memref<1x128xi32, #tpu.memory_space<vmem>>
    %dma_start3A_10 = tpu.memref_squeeze %dma_start3A_9 : memref<1x128xi32, #tpu.memory_space<vmem>> -> memref<128xi32, #tpu.memory_space<vmem>>
    %dma_start3A_11 = arith.constant 0 : i32
    %dma_start3A_12 = arith.constant 0 : i32
    %dma_start3A_13 = tpu.memref_slice %arg2[%dma_start3A_11, %dma_start3A_12] : memref<100000x64xf32, #tpu.memory_space<hbm>> -> memref<100000x64xf32, #tpu.memory_space<hbm>>
    tpu.enqueue_indirect_dma source(%dma_start3A_13 : memref<100000x64xf32, #tpu.memory_space<hbm>>) target(%dma_start3A_7 : memref<128x64xf32, #tpu.memory_space<vmem>>) offsets(%dma_start3A_10 : memref<128xi32, #tpu.memory_space<vmem>>) semaphore(%arg10 : memref<!tpu.dma_semaphore, #tpu.memory_space<semaphore_mem>>)
    %dma_start3A_14 = arith.constant 1 : i32
    %dma_start3A_15 = arith.constant 128 : i32
    %dma_start3A_16 = arith.constant 0 : i32
    %dma_start3A_17 = tpu.memref_slice %arg8[%dma_start3A_15, %dma_start3A_16] : memref<512x64xf32, #tpu.memory_space<vmem>> -> memref<128x64xf32, #tpu.memory_space<vmem>>
    %dma_start3A_18 = arith.constant 0 : i32
    %dma_start3A_19 = tpu.memref_slice %arg6[%dma_start3A_14, %dma_start3A_18] : memref<4x128xi32, #tpu.memory_space<vmem>> -> memref<1x128xi32, #tpu.memory_space<vmem>>
    %dma_start3A_20 = tpu.memref_squeeze %dma_start3A_19 : memref<1x128xi32, #tpu.memory_space<vmem>> -> memref<128xi32, #tpu.memory_space<vmem>>
    %dma_start3A_21 = arith.constant 0 : i32
    %dma_start3A_22 = arith.constant 0 : i32
    %dma_start3A_23 = tpu.memref_slice %arg2[%dma_start3A_21, %dma_start3A_22] : memref<100000x64xf32, #tpu.memory_space<hbm>> -> memref<100000x64xf32, #tpu.memory_space<hbm>>
    tpu.enqueue_indirect_dma source(%dma_start3A_23 : memref<100000x64xf32, #tpu.memory_space<hbm>>) target(%dma_start3A_17 : memref<128x64xf32, #tpu.memory_space<vmem>>) offsets(%dma_start3A_20 : memref<128xi32, #tpu.memory_space<vmem>>) semaphore(%arg10 : memref<!tpu.dma_semaphore, #tpu.memory_space<semaphore_mem>>)
    %dma_start3A_24 = arith.constant 2 : i32
    %dma_start3A_25 = arith.constant 256 : i32
    %dma_start3A_26 = arith.constant 0 : i32
    %dma_start3A_27 = tpu.memref_slice %arg8[%dma_start3A_25, %dma_start3A_26] : memref<512x64xf32, #tpu.memory_space<vmem>> -> memref<128x64xf32, #tpu.memory_space<vmem>>
    %dma_start3A_28 = arith.constant 0 : i32
    %dma_start3A_29 = tpu.memref_slice %arg6[%dma_start3A_24, %dma_start3A_28] : memref<4x128xi32, #tpu.memory_space<vmem>> -> memref<1x128xi32, #tpu.memory_space<vmem>>
    %dma_start3A_30 = tpu.memref_squeeze %dma_start3A_29 : memref<1x128xi32, #tpu.memory_space<vmem>> -> memref<128xi32, #tpu.memory_space<vmem>>
    %dma_start3A_31 = arith.constant 0 : i32
    %dma_start3A_32 = arith.constant 0 : i32
    %dma_start3A_33 = tpu.memref_slice %arg2[%dma_start3A_31, %dma_start3A_32] : memref<100000x64xf32, #tpu.memory_space<hbm>> -> memref<100000x64xf32, #tpu.memory_space<hbm>>
    tpu.enqueue_indirect_dma source(%dma_start3A_33 : memref<100000x64xf32, #tpu.memory_space<hbm>>) target(%dma_start3A_27 : memref<128x64xf32, #tpu.memory_space<vmem>>) offsets(%dma_start3A_30 : memref<128xi32, #tpu.memory_space<vmem>>) semaphore(%arg10 : memref<!tpu.dma_semaphore, #tpu.memory_space<semaphore_mem>>)
    %dma_start3A_34 = arith.constant 3 : i32
    %dma_start3A_35 = arith.constant 384 : i32
    %dma_start3A_36 = arith.constant 0 : i32
    %dma_start3A_37 = tpu.memref_slice %arg8[%dma_start3A_35, %dma_start3A_36] : memref<512x64xf32, #tpu.memory_space<vmem>> -> memref<128x64xf32, #tpu.memory_space<vmem>>
    %dma_start3A_38 = arith.constant 0 : i32
    %dma_start3A_39 = tpu.memref_slice %arg6[%dma_start3A_34, %dma_start3A_38] : memref<4x128xi32, #tpu.memory_space<vmem>> -> memref<1x128xi32, #tpu.memory_space<vmem>>
    %dma_start3A_40 = tpu.memref_squeeze %dma_start3A_39 : memref<1x128xi32, #tpu.memory_space<vmem>> -> memref<128xi32, #tpu.memory_space<vmem>>
    %dma_start3A_41 = arith.constant 0 : i32
    %dma_start3A_42 = arith.constant 0 : i32
    %dma_start3A_43 = tpu.memref_slice %arg2[%dma_start3A_41, %dma_start3A_42] : memref<100000x64xf32, #tpu.memory_space<hbm>> -> memref<100000x64xf32, #tpu.memory_space<hbm>>
    tpu.enqueue_indirect_dma source(%dma_start3A_43 : memref<100000x64xf32, #tpu.memory_space<hbm>>) target(%dma_start3A_37 : memref<128x64xf32, #tpu.memory_space<vmem>>) offsets(%dma_start3A_40 : memref<128xi32, #tpu.memory_space<vmem>>) semaphore(%arg10 : memref<!tpu.dma_semaphore, #tpu.memory_space<semaphore_mem>>)
    %dma_wait3A = arith.constant 0 : i32
    %dma_wait3A_44 = arith.constant 0 : i32
    %dma_wait3A_45 = arith.constant 0 : i32
    %dma_wait3A_46 = tpu.memref_slice %arg8[%dma_wait3A_44, %dma_wait3A_45] : memref<512x64xf32, #tpu.memory_space<vmem>> -> memref<128x64xf32, #tpu.memory_space<vmem>>
    %dma_wait3A_47 = arith.constant 0 : i32
    %dma_wait3A_48 = tpu.memref_slice %arg6[%dma_wait3A, %dma_wait3A_47] : memref<4x128xi32, #tpu.memory_space<vmem>> -> memref<1x128xi32, #tpu.memory_space<vmem>>
    %dma_wait3A_49 = tpu.memref_squeeze %dma_wait3A_48 : memref<1x128xi32, #tpu.memory_space<vmem>> -> memref<128xi32, #tpu.memory_space<vmem>>
    %dma_wait3A_50 = arith.constant 0 : i32
    %dma_wait3A_51 = arith.constant 0 : i32
    %dma_wait3A_52 = tpu.memref_slice %arg2[%dma_wait3A_50, %dma_wait3A_51] : memref<100000x64xf32, #tpu.memory_space<hbm>> -> memref<100000x64xf32, #tpu.memory_space<hbm>>
    tpu.wait_indirect_dma semaphore(%arg10 : memref<!tpu.dma_semaphore, #tpu.memory_space<semaphore_mem>>) src(%dma_wait3A_52 : memref<100000x64xf32, #tpu.memory_space<hbm>>) dst(%dma_wait3A_46 : memref<128x64xf32, #tpu.memory_space<vmem>>)
    %dma_wait3A_53 = arith.constant 1 : i32
    %dma_wait3A_54 = arith.constant 128 : i32
    %dma_wait3A_55 = arith.constant 0 : i32
    %dma_wait3A_56 = tpu.memref_slice %arg8[%dma_wait3A_54, %dma_wait3A_55] : memref<512x64xf32, #tpu.memory_space<vmem>> -> memref<128x64xf32, #tpu.memory_space<vmem>>
    %dma_wait3A_57 = arith.constant 0 : i32
    %dma_wait3A_58 = tpu.memref_slice %arg6[%dma_wait3A_53, %dma_wait3A_57] : memref<4x128xi32, #tpu.memory_space<vmem>> -> memref<1x128xi32, #tpu.memory_space<vmem>>
    %dma_wait3A_59 = tpu.memref_squeeze %dma_wait3A_58 : memref<1x128xi32, #tpu.memory_space<vmem>> -> memref<128xi32, #tpu.memory_space<vmem>>
    %dma_wait3A_60 = arith.constant 0 : i32
    %dma_wait3A_61 = arith.constant 0 : i32
    %dma_wait3A_62 = tpu.memref_slice %arg2[%dma_wait3A_60, %dma_wait3A_61] : memref<100000x64xf32, #tpu.memory_space<hbm>> -> memref<100000x64xf32, #tpu.memory_space<hbm>>
    tpu.wait_indirect_dma semaphore(%arg10 : memref<!tpu.dma_semaphore, #tpu.memory_space<semaphore_mem>>) src(%dma_wait3A_62 : memref<100000x64xf32, #tpu.memory_space<hbm>>) dst(%dma_wait3A_56 : memref<128x64xf32, #tpu.memory_space<vmem>>)
    %dma_wait3A_63 = arith.constant 2 : i32
    %dma_wait3A_64 = arith.constant 256 : i32
    %dma_wait3A_65 = arith.constant 0 : i32
    %dma_wait3A_66 = tpu.memref_slice %arg8[%dma_wait3A_64, %dma_wait3A_65] : memref<512x64xf32, #tpu.memory_space<vmem>> -> memref<128x64xf32, #tpu.memory_space<vmem>>
    %dma_wait3A_67 = arith.constant 0 : i32
    %dma_wait3A_68 = tpu.memref_slice %arg6[%dma_wait3A_63, %dma_wait3A_67] : memref<4x128xi32, #tpu.memory_space<vmem>> -> memref<1x128xi32, #tpu.memory_space<vmem>>
    %dma_wait3A_69 = tpu.memref_squeeze %dma_wait3A_68 : memref<1x128xi32, #tpu.memory_space<vmem>> -> memref<128xi32, #tpu.memory_space<vmem>>
    %dma_wait3A_70 = arith.constant 0 : i32
    %dma_wait3A_71 = arith.constant 0 : i32
    %dma_wait3A_72 = tpu.memref_slice %arg2[%dma_wait3A_70, %dma_wait3A_71] : memref<100000x64xf32, #tpu.memory_space<hbm>> -> memref<100000x64xf32, #tpu.memory_space<hbm>>
    tpu.wait_indirect_dma semaphore(%arg10 : memref<!tpu.dma_semaphore, #tpu.memory_space<semaphore_mem>>) src(%dma_wait3A_72 : memref<100000x64xf32, #tpu.memory_space<hbm>>) dst(%dma_wait3A_66 : memref<128x64xf32, #tpu.memory_space<vmem>>)
    %dma_wait3A_73 = arith.constant 3 : i32
    %dma_wait3A_74 = arith.constant 384 : i32
    %dma_wait3A_75 = arith.constant 0 : i32
    %dma_wait3A_76 = tpu.memref_slice %arg8[%dma_wait3A_74, %dma_wait3A_75] : memref<512x64xf32, #tpu.memory_space<vmem>> -> memref<128x64xf32, #tpu.memory_space<vmem>>
    %dma_wait3A_77 = arith.constant 0 : i32
    %dma_wait3A_78 = tpu.memref_slice %arg6[%dma_wait3A_73, %dma_wait3A_77] : memref<4x128xi32, #tpu.memory_space<vmem>> -> memref<1x128xi32, #tpu.memory_space<vmem>>
    %dma_wait3A_79 = tpu.memref_squeeze %dma_wait3A_78 : memref<1x128xi32, #tpu.memory_space<vmem>> -> memref<128xi32, #tpu.memory_space<vmem>>
    %dma_wait3A_80 = arith.constant 0 : i32
    %dma_wait3A_81 = arith.constant 0 : i32
    %dma_wait3A_82 = tpu.memref_slice %arg2[%dma_wait3A_80, %dma_wait3A_81] : memref<100000x64xf32, #tpu.memory_space<hbm>> -> memref<100000x64xf32, #tpu.memory_space<hbm>>
    tpu.wait_indirect_dma semaphore(%arg10 : memref<!tpu.dma_semaphore, #tpu.memory_space<semaphore_mem>>) src(%dma_wait3A_82 : memref<100000x64xf32, #tpu.memory_space<hbm>>) dst(%dma_wait3A_76 : memref<128x64xf32, #tpu.memory_space<vmem>>)
    %scan3A = arith.constant 0 : i32
    %scan3A_83 = arith.constant 0 : i32
    %scan3A_84 = arith.constant 32 : i32
    %scan3A_85 = arith.addi %scan3A_83, %scan3A_84 : i32
    %scan3A_86 = arith.constant 1 : i32
    scf.for %scan3A_90 = %scan3A_83 to %scan3A_85 step %scan3A_86  : i32 {
      %broadcast_in_dim3A = arith.constant 0.000000e+00 : f32
      %broadcast_in_dim3A_91 = vector.broadcast %broadcast_in_dim3A : f32 to vector<16xf32>
      %broadcast_in_dim3A_92 = arith.constant 0.000000e+00 : f32
      %broadcast_in_dim3A_93 = vector.broadcast %broadcast_in_dim3A_92 : f32 to vector<16xf32>
      %broadcast_in_dim3A_94 = arith.constant 0.000000e+00 : f32
      %broadcast_in_dim3A_95 = vector.broadcast %broadcast_in_dim3A_94 : f32 to vector<16xf32>
      %broadcast_in_dim3A_96 = arith.constant 0.000000e+00 : f32
      %broadcast_in_dim3A_97 = vector.broadcast %broadcast_in_dim3A_96 : f32 to vector<16xf32>
      %mul3A_98 = arith.constant 16 : i32
      %mul3A_99 = arith.muli %scan3A_90, %mul3A_98 : i32
      %add3A_100 = arith.constant 0 : i32
      %add3A_101 = arith.addi %mul3A_99, %add3A_100 : i32
      %get3A = arith.index_cast %add3A_101 : i32 to index
      %get3A_102 = arith.constant 0 : index
      %get3A_103 = tpu.vector_load %arg7[%get3A, %get3A_102] {strides = array<i32>} : memref<512x16xf32, #tpu.memory_space<vmem>>, vector<1x16xf32>,
      %get3A_104 = vector.shape_cast %get3A_103 : vector<1x16xf32> to vector<16xf32>
      %get3A_105 = arith.index_cast %add3A_101 : i32 to index
      %get3A_106 = arith.constant 0 : index
      %get3A_107 = tpu.vector_load %arg8[%get3A_105, %get3A_106] {strides = array<i32>} : memref<512x64xf32, #tpu.memory_space<vmem>>, vector<1x16xf32>,
      %get3A_108 = vector.shape_cast %get3A_107 : vector<1x16xf32> to vector<16xf32>
      %mul3A_109 = arith.mulf %get3A_104, %get3A_108 : vector<16xf32>
      %add3A_110 = arith.addf %broadcast_in_dim3A_91, %mul3A_109 : vector<16xf32>
      %get3A_111 = arith.index_cast %add3A_101 : i32 to index
      %get3A_112 = arith.constant 16 : index
      %get3A_113 = tpu.vector_load %arg8[%get3A_111, %get3A_112] {strides = array<i32>} : memref<512x64xf32, #tpu.memory_space<vmem>>, vector<1x16xf32>,
      %get3A_114 = vector.shape_cast %get3A_113 : vector<1x16xf32> to vector<16xf32>
      %mul3A_115 = arith.mulf %get3A_104, %get3A_114 : vector<16xf32>
      %add3A_116 = arith.addf %broadcast_in_dim3A_93, %mul3A_115 : vector<16xf32>
      %get3A_117 = arith.index_cast %add3A_101 : i32 to index
      %get3A_118 = arith.constant 32 : index
      %get3A_119 = tpu.vector_load %arg8[%get3A_117, %get3A_118] {strides = array<i32>} : memref<512x64xf32, #tpu.memory_space<vmem>>, vector<1x16xf32>,
      %get3A_120 = vector.shape_cast %get3A_119 : vector<1x16xf32> to vector<16xf32>
      %mul3A_121 = arith.mulf %get3A_104, %get3A_120 : vector<16xf32>
      %add3A_122 = arith.addf %broadcast_in_dim3A_95, %mul3A_121 : vector<16xf32>
      %get3A_123 = arith.index_cast %add3A_101 : i32 to index
      %get3A_124 = arith.constant 48 : index
      %get3A_125 = tpu.vector_load %arg8[%get3A_123, %get3A_124] {strides = array<i32>} : memref<512x64xf32, #tpu.memory_space<vmem>>, vector<1x16xf32>,
      %get3A_126 = vector.shape_cast %get3A_125 : vector<1x16xf32> to vector<16xf32>
      %mul3A_127 = arith.mulf %get3A_104, %get3A_126 : vector<16xf32>
      %add3A_128 = arith.addf %broadcast_in_dim3A_97, %mul3A_127 : vector<16xf32>
      %mul3A_129 = arith.constant 16 : i32
      %mul3A_130 = arith.muli %scan3A_90, %mul3A_129 : i32
      %add3A_131 = arith.constant 1 : i32
      %add3A_132 = arith.addi %mul3A_130, %add3A_131 : i32
      %get3A_133 = arith.index_cast %add3A_132 : i32 to index
      %get3A_134 = arith.constant 0 : index
      %get3A_135 = tpu.vector_load %arg7[%get3A_133, %get3A_134] {strides = array<i32>} : memref<512x16xf32, #tpu.memory_space<vmem>>, vector<1x16xf32>,
      %get3A_136 = vector.shape_cast %get3A_135 : vector<1x16xf32> to vector<16xf32>
      %get3A_137 = arith.index_cast %add3A_132 : i32 to index
      %get3A_138 = arith.constant 0 : index
      %get3A_139 = tpu.vector_load %arg8[%get3A_137, %get3A_138] {strides = array<i32>} : memref<512x64xf32, #tpu.memory_space<vmem>>, vector<1x16xf32>,
      %get3A_140 = vector.shape_cast %get3A_139 : vector<1x16xf32> to vector<16xf32>
      %mul3A_141 = arith.mulf %get3A_136, %get3A_140 : vector<16xf32>
      %add3A_142 = arith.addf %add3A_110, %mul3A_141 : vector<16xf32>
      %get3A_143 = arith.index_cast %add3A_132 : i32 to index
      %get3A_144 = arith.constant 16 : index
      %get3A_145 = tpu.vector_load %arg8[%get3A_143, %get3A_144] {strides = array<i32>} : memref<512x64xf32, #tpu.memory_space<vmem>>, vector<1x16xf32>,
      %get3A_146 = vector.shape_cast %get3A_145 : vector<1x16xf32> to vector<16xf32>
      %mul3A_147 = arith.mulf %get3A_136, %get3A_146 : vector<16xf32>
      %add3A_148 = arith.addf %add3A_116, %mul3A_147 : vector<16xf32>
      %get3A_149 = arith.index_cast %add3A_132 : i32 to index
      %get3A_150 = arith.constant 32 : index
      %get3A_151 = tpu.vector_load %arg8[%get3A_149, %get3A_150] {strides = array<i32>} : memref<512x64xf32, #tpu.memory_space<vmem>>, vector<1x16xf32>,
      %get3A_152 = vector.shape_cast %get3A_151 : vector<1x16xf32> to vector<16xf32>
      %mul3A_153 = arith.mulf %get3A_136, %get3A_152 : vector<16xf32>
      %add3A_154 = arith.addf %add3A_122, %mul3A_153 : vector<16xf32>
      %get3A_155 = arith.index_cast %add3A_132 : i32 to index
      %get3A_156 = arith.constant 48 : index
      %get3A_157 = tpu.vector_load %arg8[%get3A_155, %get3A_156] {strides = array<i32>} : memref<512x64xf32, #tpu.memory_space<vmem>>, vector<1x16xf32>,
      %get3A_158 = vector.shape_cast %get3A_157 : vector<1x16xf32> to vector<16xf32>
      %mul3A_159 = arith.mulf %get3A_136, %get3A_158 : vector<16xf32>
      %add3A_160 = arith.addf %add3A_128, %mul3A_159 : vector<16xf32>
      %mul3A_161 = arith.constant 16 : i32
      %mul3A_162 = arith.muli %scan3A_90, %mul3A_161 : i32
      %add3A_163 = arith.constant 2 : i32
      %add3A_164 = arith.addi %mul3A_162, %add3A_163 : i32
      %get3A_165 = arith.index_cast %add3A_164 : i32 to index
      %get3A_166 = arith.constant 0 : index
      %get3A_167 = tpu.vector_load %arg7[%get3A_165, %get3A_166] {strides = array<i32>} : memref<512x16xf32, #tpu.memory_space<vmem>>, vector<1x16xf32>,
      %get3A_168 = vector.shape_cast %get3A_167 : vector<1x16xf32> to vector<16xf32>
      %get3A_169 = arith.index_cast %add3A_164 : i32 to index
      %get3A_170 = arith.constant 0 : index
      %get3A_171 = tpu.vector_load %arg8[%get3A_169, %get3A_170] {strides = array<i32>} : memref<512x64xf32, #tpu.memory_space<vmem>>, vector<1x16xf32>,
      %get3A_172 = vector.shape_cast %get3A_171 : vector<1x16xf32> to vector<16xf32>
      %mul3A_173 = arith.mulf %get3A_168, %get3A_172 : vector<16xf32>
      %add3A_174 = arith.addf %add3A_142, %mul3A_173 : vector<16xf32>
      %get3A_175 = arith.index_cast %add3A_164 : i32 to index
      %get3A_176 = arith.constant 16 : index
      %get3A_177 = tpu.vector_load %arg8[%get3A_175, %get3A_176] {strides = array<i32>} : memref<512x64xf32, #tpu.memory_space<vmem>>, vector<1x16xf32>,
      %get3A_178 = vector.shape_cast %get3A_177 : vector<1x16xf32> to vector<16xf32>
      %mul3A_179 = arith.mulf %get3A_168, %get3A_178 : vector<16xf32>
      %add3A_180 = arith.addf %add3A_148, %mul3A_179 : vector<16xf32>
      %get3A_181 = arith.index_cast %add3A_164 : i32 to index
      %get3A_182 = arith.constant 32 : index
      %get3A_183 = tpu.vector_load %arg8[%get3A_181, %get3A_182] {strides = array<i32>} : memref<512x64xf32, #tpu.memory_space<vmem>>, vector<1x16xf32>,
      %get3A_184 = vector.shape_cast %get3A_183 : vector<1x16xf32> to vector<16xf32>
      %mul3A_185 = arith.mulf %get3A_168, %get3A_184 : vector<16xf32>
      %add3A_186 = arith.addf %add3A_154, %mul3A_185 : vector<16xf32>
      %get3A_187 = arith.index_cast %add3A_164 : i32 to index
      %get3A_188 = arith.constant 48 : index
      %get3A_189 = tpu.vector_load %arg8[%get3A_187, %get3A_188] {strides = array<i32>} : memref<512x64xf32, #tpu.memory_space<vmem>>, vector<1x16xf32>,
      %get3A_190 = vector.shape_cast %get3A_189 : vector<1x16xf32> to vector<16xf32>
      %mul3A_191 = arith.mulf %get3A_168, %get3A_190 : vector<16xf32>
      %add3A_192 = arith.addf %add3A_160, %mul3A_191 : vector<16xf32>
      %mul3A_193 = arith.constant 16 : i32
      %mul3A_194 = arith.muli %scan3A_90, %mul3A_193 : i32
      %add3A_195 = arith.constant 3 : i32
      %add3A_196 = arith.addi %mul3A_194, %add3A_195 : i32
      %get3A_197 = arith.index_cast %add3A_196 : i32 to index
      %get3A_198 = arith.constant 0 : index
      %get3A_199 = tpu.vector_load %arg7[%get3A_197, %get3A_198] {strides = array<i32>} : memref<512x16xf32, #tpu.memory_space<vmem>>, vector<1x16xf32>,
      %get3A_200 = vector.shape_cast %get3A_199 : vector<1x16xf32> to vector<16xf32>
      %get3A_201 = arith.index_cast %add3A_196 : i32 to index
      %get3A_202 = arith.constant 0 : index
      %get3A_203 = tpu.vector_load %arg8[%get3A_201, %get3A_202] {strides = array<i32>} : memref<512x64xf32, #tpu.memory_space<vmem>>, vector<1x16xf32>,
      %get3A_204 = vector.shape_cast %get3A_203 : vector<1x16xf32> to vector<16xf32>
      %mul3A_205 = arith.mulf %get3A_200, %get3A_204 : vector<16xf32>
      %add3A_206 = arith.addf %add3A_174, %mul3A_205 : vector<16xf32>
      %get3A_207 = arith.index_cast %add3A_196 : i32 to index
      %get3A_208 = arith.constant 16 : index
      %get3A_209 = tpu.vector_load %arg8[%get3A_207, %get3A_208] {strides = array<i32>} : memref<512x64xf32, #tpu.memory_space<vmem>>, vector<1x16xf32>,
      %get3A_210 = vector.shape_cast %get3A_209 : vector<1x16xf32> to vector<16xf32>
      %mul3A_211 = arith.mulf %get3A_200, %get3A_210 : vector<16xf32>
      %add3A_212 = arith.addf %add3A_180, %mul3A_211 : vector<16xf32>
      %get3A_213 = arith.index_cast %add3A_196 : i32 to index
      %get3A_214 = arith.constant 32 : index
      %get3A_215 = tpu.vector_load %arg8[%get3A_213, %get3A_214] {strides = array<i32>} : memref<512x64xf32, #tpu.memory_space<vmem>>, vector<1x16xf32>,
      %get3A_216 = vector.shape_cast %get3A_215 : vector<1x16xf32> to vector<16xf32>
      %mul3A_217 = arith.mulf %get3A_200, %get3A_216 : vector<16xf32>
      %add3A_218 = arith.addf %add3A_186, %mul3A_217 : vector<16xf32>
      %get3A_219 = arith.index_cast %add3A_196 : i32 to index
      %get3A_220 = arith.constant 48 : index
      %get3A_221 = tpu.vector_load %arg8[%get3A_219, %get3A_220] {strides = array<i32>} : memref<512x64xf32, #tpu.memory_space<vmem>>, vector<1x16xf32>,
      %get3A_222 = vector.shape_cast %get3A_221 : vector<1x16xf32> to vector<16xf32>
      %mul3A_223 = arith.mulf %get3A_200, %get3A_222 : vector<16xf32>
      %add3A_224 = arith.addf %add3A_192, %mul3A_223 : vector<16xf32>
      %mul3A_225 = arith.constant 16 : i32
      %mul3A_226 = arith.muli %scan3A_90, %mul3A_225 : i32
      %add3A_227 = arith.constant 4 : i32
      %add3A_228 = arith.addi %mul3A_226, %add3A_227 : i32
      %get3A_229 = arith.index_cast %add3A_228 : i32 to index
      %get3A_230 = arith.constant 0 : index
      %get3A_231 = tpu.vector_load %arg7[%get3A_229, %get3A_230] {strides = array<i32>} : memref<512x16xf32, #tpu.memory_space<vmem>>, vector<1x16xf32>,
      %get3A_232 = vector.shape_cast %get3A_231 : vector<1x16xf32> to vector<16xf32>
      %get3A_233 = arith.index_cast %add3A_228 : i32 to index
      %get3A_234 = arith.constant 0 : index
      %get3A_235 = tpu.vector_load %arg8[%get3A_233, %get3A_234] {strides = array<i32>} : memref<512x64xf32, #tpu.memory_space<vmem>>, vector<1x16xf32>,
      %get3A_236 = vector.shape_cast %get3A_235 : vector<1x16xf32> to vector<16xf32>
      %mul3A_237 = arith.mulf %get3A_232, %get3A_236 : vector<16xf32>
      %add3A_238 = arith.addf %add3A_206, %mul3A_237 : vector<16xf32>
      %get3A_239 = arith.index_cast %add3A_228 : i32 to index
      %get3A_240 = arith.constant 16 : index
      %get3A_241 = tpu.vector_load %arg8[%get3A_239, %get3A_240] {strides = array<i32>} : memref<512x64xf32, #tpu.memory_space<vmem>>, vector<1x16xf32>,
      %get3A_242 = vector.shape_cast %get3A_241 : vector<1x16xf32> to vector<16xf32>
      %mul3A_243 = arith.mulf %get3A_232, %get3A_242 : vector<16xf32>
      %add3A_244 = arith.addf %add3A_212, %mul3A_243 : vector<16xf32>
      %get3A_245 = arith.index_cast %add3A_228 : i32 to index
      %get3A_246 = arith.constant 32 : index
      %get3A_247 = tpu.vector_load %arg8[%get3A_245, %get3A_246] {strides = array<i32>} : memref<512x64xf32, #tpu.memory_space<vmem>>, vector<1x16xf32>,
      %get3A_248 = vector.shape_cast %get3A_247 : vector<1x16xf32> to vector<16xf32>
      %mul3A_249 = arith.mulf %get3A_232, %get3A_248 : vector<16xf32>
      %add3A_250 = arith.addf %add3A_218, %mul3A_249 : vector<16xf32>
      %get3A_251 = arith.index_cast %add3A_228 : i32 to index
      %get3A_252 = arith.constant 48 : index
      %get3A_253 = tpu.vector_load %arg8[%get3A_251, %get3A_252] {strides = array<i32>} : memref<512x64xf32, #tpu.memory_space<vmem>>, vector<1x16xf32>,
      %get3A_254 = vector.shape_cast %get3A_253 : vector<1x16xf32> to vector<16xf32>
      %mul3A_255 = arith.mulf %get3A_232, %get3A_254 : vector<16xf32>
      %add3A_256 = arith.addf %add3A_224, %mul3A_255 : vector<16xf32>
      %mul3A_257 = arith.constant 16 : i32
      %mul3A_258 = arith.muli %scan3A_90, %mul3A_257 : i32
      %add3A_259 = arith.constant 5 : i32
      %add3A_260 = arith.addi %mul3A_258, %add3A_259 : i32
      %get3A_261 = arith.index_cast %add3A_260 : i32 to index
      %get3A_262 = arith.constant 0 : index
      %get3A_263 = tpu.vector_load %arg7[%get3A_261, %get3A_262] {strides = array<i32>} : memref<512x16xf32, #tpu.memory_space<vmem>>, vector<1x16xf32>,
      %get3A_264 = vector.shape_cast %get3A_263 : vector<1x16xf32> to vector<16xf32>
      %get3A_265 = arith.index_cast %add3A_260 : i32 to index
      %get3A_266 = arith.constant 0 : index
      %get3A_267 = tpu.vector_load %arg8[%get3A_265, %get3A_266] {strides = array<i32>} : memref<512x64xf32, #tpu.memory_space<vmem>>, vector<1x16xf32>,
      %get3A_268 = vector.shape_cast %get3A_267 : vector<1x16xf32> to vector<16xf32>
      %mul3A_269 = arith.mulf %get3A_264, %get3A_268 : vector<16xf32>
      %add3A_270 = arith.addf %add3A_238, %mul3A_269 : vector<16xf32>
      %get3A_271 = arith.index_cast %add3A_260 : i32 to index
      %get3A_272 = arith.constant 16 : index
      %get3A_273 = tpu.vector_load %arg8[%get3A_271, %get3A_272] {strides = array<i32>} : memref<512x64xf32, #tpu.memory_space<vmem>>, vector<1x16xf32>,
      %get3A_274 = vector.shape_cast %get3A_273 : vector<1x16xf32> to vector<16xf32>
      %mul3A_275 = arith.mulf %get3A_264, %get3A_274 : vector<16xf32>
      %add3A_276 = arith.addf %add3A_244, %mul3A_275 : vector<16xf32>
      %get3A_277 = arith.index_cast %add3A_260 : i32 to index
      %get3A_278 = arith.constant 32 : index
      %get3A_279 = tpu.vector_load %arg8[%get3A_277, %get3A_278] {strides = array<i32>} : memref<512x64xf32, #tpu.memory_space<vmem>>, vector<1x16xf32>,
      %get3A_280 = vector.shape_cast %get3A_279 : vector<1x16xf32> to vector<16xf32>
      %mul3A_281 = arith.mulf %get3A_264, %get3A_280 : vector<16xf32>
      %add3A_282 = arith.addf %add3A_250, %mul3A_281 : vector<16xf32>
      %get3A_283 = arith.index_cast %add3A_260 : i32 to index
      %get3A_284 = arith.constant 48 : index
      %get3A_285 = tpu.vector_load %arg8[%get3A_283, %get3A_284] {strides = array<i32>} : memref<512x64xf32, #tpu.memory_space<vmem>>, vector<1x16xf32>,
      %get3A_286 = vector.shape_cast %get3A_285 : vector<1x16xf32> to vector<16xf32>
      %mul3A_287 = arith.mulf %get3A_264, %get3A_286 : vector<16xf32>
      %add3A_288 = arith.addf %add3A_256, %mul3A_287 : vector<16xf32>
      %mul3A_289 = arith.constant 16 : i32
      %mul3A_290 = arith.muli %scan3A_90, %mul3A_289 : i32
      %add3A_291 = arith.constant 6 : i32
      %add3A_292 = arith.addi %mul3A_290, %add3A_291 : i32
      %get3A_293 = arith.index_cast %add3A_292 : i32 to index
      %get3A_294 = arith.constant 0 : index
      %get3A_295 = tpu.vector_load %arg7[%get3A_293, %get3A_294] {strides = array<i32>} : memref<512x16xf32, #tpu.memory_space<vmem>>, vector<1x16xf32>,
      %get3A_296 = vector.shape_cast %get3A_295 : vector<1x16xf32> to vector<16xf32>
      %get3A_297 = arith.index_cast %add3A_292 : i32 to index
      %get3A_298 = arith.constant 0 : index
      %get3A_299 = tpu.vector_load %arg8[%get3A_297, %get3A_298] {strides = array<i32>} : memref<512x64xf32, #tpu.memory_space<vmem>>, vector<1x16xf32>,
      %get3A_300 = vector.shape_cast %get3A_299 : vector<1x16xf32> to vector<16xf32>
      %mul3A_301 = arith.mulf %get3A_296, %get3A_300 : vector<16xf32>
      %add3A_302 = arith.addf %add3A_270, %mul3A_301 : vector<16xf32>
      %get3A_303 = arith.index_cast %add3A_292 : i32 to index
      %get3A_304 = arith.constant 16 : index
      %get3A_305 = tpu.vector_load %arg8[%get3A_303, %get3A_304] {strides = array<i32>} : memref<512x64xf32, #tpu.memory_space<vmem>>, vector<1x16xf32>,
      %get3A_306 = vector.shape_cast %get3A_305 : vector<1x16xf32> to vector<16xf32>
      %mul3A_307 = arith.mulf %get3A_296, %get3A_306 : vector<16xf32>
      %add3A_308 = arith.addf %add3A_276, %mul3A_307 : vector<16xf32>
      %get3A_309 = arith.index_cast %add3A_292 : i32 to index
      %get3A_310 = arith.constant 32 : index
      %get3A_311 = tpu.vector_load %arg8[%get3A_309, %get3A_310] {strides = array<i32>} : memref<512x64xf32, #tpu.memory_space<vmem>>, vector<1x16xf32>,
      %get3A_312 = vector.shape_cast %get3A_311 : vector<1x16xf32> to vector<16xf32>
      %mul3A_313 = arith.mulf %get3A_296, %get3A_312 : vector<16xf32>
      %add3A_314 = arith.addf %add3A_282, %mul3A_313 : vector<16xf32>
      %get3A_315 = arith.index_cast %add3A_292 : i32 to index
      %get3A_316 = arith.constant 48 : index
      %get3A_317 = tpu.vector_load %arg8[%get3A_315, %get3A_316] {strides = array<i32>} : memref<512x64xf32, #tpu.memory_space<vmem>>, vector<1x16xf32>,
      %get3A_318 = vector.shape_cast %get3A_317 : vector<1x16xf32> to vector<16xf32>
      %mul3A_319 = arith.mulf %get3A_296, %get3A_318 : vector<16xf32>
      %add3A_320 = arith.addf %add3A_288, %mul3A_319 : vector<16xf32>
      %mul3A_321 = arith.constant 16 : i32
      %mul3A_322 = arith.muli %scan3A_90, %mul3A_321 : i32
      %add3A_323 = arith.constant 7 : i32
      %add3A_324 = arith.addi %mul3A_322, %add3A_323 : i32
      %get3A_325 = arith.index_cast %add3A_324 : i32 to index
      %get3A_326 = arith.constant 0 : index
      %get3A_327 = tpu.vector_load %arg7[%get3A_325, %get3A_326] {strides = array<i32>} : memref<512x16xf32, #tpu.memory_space<vmem>>, vector<1x16xf32>,
      %get3A_328 = vector.shape_cast %get3A_327 : vector<1x16xf32> to vector<16xf32>
      %get3A_329 = arith.index_cast %add3A_324 : i32 to index
      %get3A_330 = arith.constant 0 : index
      %get3A_331 = tpu.vector_load %arg8[%get3A_329, %get3A_330] {strides = array<i32>} : memref<512x64xf32, #tpu.memory_space<vmem>>, vector<1x16xf32>,
      %get3A_332 = vector.shape_cast %get3A_331 : vector<1x16xf32> to vector<16xf32>
      %mul3A_333 = arith.mulf %get3A_328, %get3A_332 : vector<16xf32>
      %add3A_334 = arith.addf %add3A_302, %mul3A_333 : vector<16xf32>
      %get3A_335 = arith.index_cast %add3A_324 : i32 to index
      %get3A_336 = arith.constant 16 : index
      %get3A_337 = tpu.vector_load %arg8[%get3A_335, %get3A_336] {strides = array<i32>} : memref<512x64xf32, #tpu.memory_space<vmem>>, vector<1x16xf32>,
      %get3A_338 = vector.shape_cast %get3A_337 : vector<1x16xf32> to vector<16xf32>
      %mul3A_339 = arith.mulf %get3A_328, %get3A_338 : vector<16xf32>
      %add3A_340 = arith.addf %add3A_308, %mul3A_339 : vector<16xf32>
      %get3A_341 = arith.index_cast %add3A_324 : i32 to index
      %get3A_342 = arith.constant 32 : index
      %get3A_343 = tpu.vector_load %arg8[%get3A_341, %get3A_342] {strides = array<i32>} : memref<512x64xf32, #tpu.memory_space<vmem>>, vector<1x16xf32>,
      %get3A_344 = vector.shape_cast %get3A_343 : vector<1x16xf32> to vector<16xf32>
      %mul3A_345 = arith.mulf %get3A_328, %get3A_344 : vector<16xf32>
      %add3A_346 = arith.addf %add3A_314, %mul3A_345 : vector<16xf32>
      %get3A_347 = arith.index_cast %add3A_324 : i32 to index
      %get3A_348 = arith.constant 48 : index
      %get3A_349 = tpu.vector_load %arg8[%get3A_347, %get3A_348] {strides = array<i32>} : memref<512x64xf32, #tpu.memory_space<vmem>>, vector<1x16xf32>,
      %get3A_350 = vector.shape_cast %get3A_349 : vector<1x16xf32> to vector<16xf32>
      %mul3A_351 = arith.mulf %get3A_328, %get3A_350 : vector<16xf32>
      %add3A_352 = arith.addf %add3A_320, %mul3A_351 : vector<16xf32>
      %mul3A_353 = arith.constant 16 : i32
      %mul3A_354 = arith.muli %scan3A_90, %mul3A_353 : i32
      %add3A_355 = arith.constant 8 : i32
      %add3A_356 = arith.addi %mul3A_354, %add3A_355 : i32
      %get3A_357 = arith.index_cast %add3A_356 : i32 to index
      %get3A_358 = arith.constant 0 : index
      %get3A_359 = tpu.vector_load %arg7[%get3A_357, %get3A_358] {strides = array<i32>} : memref<512x16xf32, #tpu.memory_space<vmem>>, vector<1x16xf32>,
      %get3A_360 = vector.shape_cast %get3A_359 : vector<1x16xf32> to vector<16xf32>
      %get3A_361 = arith.index_cast %add3A_356 : i32 to index
      %get3A_362 = arith.constant 0 : index
      %get3A_363 = tpu.vector_load %arg8[%get3A_361, %get3A_362] {strides = array<i32>} : memref<512x64xf32, #tpu.memory_space<vmem>>, vector<1x16xf32>,
      %get3A_364 = vector.shape_cast %get3A_363 : vector<1x16xf32> to vector<16xf32>
      %mul3A_365 = arith.mulf %get3A_360, %get3A_364 : vector<16xf32>
      %add3A_366 = arith.addf %add3A_334, %mul3A_365 : vector<16xf32>
      %get3A_367 = arith.index_cast %add3A_356 : i32 to index
      %get3A_368 = arith.constant 16 : index
      %get3A_369 = tpu.vector_load %arg8[%get3A_367, %get3A_368] {strides = array<i32>} : memref<512x64xf32, #tpu.memory_space<vmem>>, vector<1x16xf32>,
      %get3A_370 = vector.shape_cast %get3A_369 : vector<1x16xf32> to vector<16xf32>
      %mul3A_371 = arith.mulf %get3A_360, %get3A_370 : vector<16xf32>
      %add3A_372 = arith.addf %add3A_340, %mul3A_371 : vector<16xf32>
      %get3A_373 = arith.index_cast %add3A_356 : i32 to index
      %get3A_374 = arith.constant 32 : index
      %get3A_375 = tpu.vector_load %arg8[%get3A_373, %get3A_374] {strides = array<i32>} : memref<512x64xf32, #tpu.memory_space<vmem>>, vector<1x16xf32>,
      %get3A_376 = vector.shape_cast %get3A_375 : vector<1x16xf32> to vector<16xf32>
      %mul3A_377 = arith.mulf %get3A_360, %get3A_376 : vector<16xf32>
      %add3A_378 = arith.addf %add3A_346, %mul3A_377 : vector<16xf32>
      %get3A_379 = arith.index_cast %add3A_356 : i32 to index
      %get3A_380 = arith.constant 48 : index
      %get3A_381 = tpu.vector_load %arg8[%get3A_379, %get3A_380] {strides = array<i32>} : memref<512x64xf32, #tpu.memory_space<vmem>>, vector<1x16xf32>,
      %get3A_382 = vector.shape_cast %get3A_381 : vector<1x16xf32> to vector<16xf32>
      %mul3A_383 = arith.mulf %get3A_360, %get3A_382 : vector<16xf32>
      %add3A_384 = arith.addf %add3A_352, %mul3A_383 : vector<16xf32>
      %mul3A_385 = arith.constant 16 : i32
      %mul3A_386 = arith.muli %scan3A_90, %mul3A_385 : i32
      %add3A_387 = arith.constant 9 : i32
      %add3A_388 = arith.addi %mul3A_386, %add3A_387 : i32
      %get3A_389 = arith.index_cast %add3A_388 : i32 to index
      %get3A_390 = arith.constant 0 : index
      %get3A_391 = tpu.vector_load %arg7[%get3A_389, %get3A_390] {strides = array<i32>} : memref<512x16xf32, #tpu.memory_space<vmem>>, vector<1x16xf32>,
      %get3A_392 = vector.shape_cast %get3A_391 : vector<1x16xf32> to vector<16xf32>
      %get3A_393 = arith.index_cast %add3A_388 : i32 to index
      %get3A_394 = arith.constant 0 : index
      %get3A_395 = tpu.vector_load %arg8[%get3A_393, %get3A_394] {strides = array<i32>} : memref<512x64xf32, #tpu.memory_space<vmem>>, vector<1x16xf32>,
      %get3A_396 = vector.shape_cast %get3A_395 : vector<1x16xf32> to vector<16xf32>
      %mul3A_397 = arith.mulf %get3A_392, %get3A_396 : vector<16xf32>
      %add3A_398 = arith.addf %add3A_366, %mul3A_397 : vector<16xf32>
      %get3A_399 = arith.index_cast %add3A_388 : i32 to index
      %get3A_400 = arith.constant 16 : index
      %get3A_401 = tpu.vector_load %arg8[%get3A_399, %get3A_400] {strides = array<i32>} : memref<512x64xf32, #tpu.memory_space<vmem>>, vector<1x16xf32>,
      %get3A_402 = vector.shape_cast %get3A_401 : vector<1x16xf32> to vector<16xf32>
      %mul3A_403 = arith.mulf %get3A_392, %get3A_402 : vector<16xf32>
      %add3A_404 = arith.addf %add3A_372, %mul3A_403 : vector<16xf32>
      %get3A_405 = arith.index_cast %add3A_388 : i32 to index
      %get3A_406 = arith.constant 32 : index
      %get3A_407 = tpu.vector_load %arg8[%get3A_405, %get3A_406] {strides = array<i32>} : memref<512x64xf32, #tpu.memory_space<vmem>>, vector<1x16xf32>,
      %get3A_408 = vector.shape_cast %get3A_407 : vector<1x16xf32> to vector<16xf32>
      %mul3A_409 = arith.mulf %get3A_392, %get3A_408 : vector<16xf32>
      %add3A_410 = arith.addf %add3A_378, %mul3A_409 : vector<16xf32>
      %get3A_411 = arith.index_cast %add3A_388 : i32 to index
      %get3A_412 = arith.constant 48 : index
      %get3A_413 = tpu.vector_load %arg8[%get3A_411, %get3A_412] {strides = array<i32>} : memref<512x64xf32, #tpu.memory_space<vmem>>, vector<1x16xf32>,
      %get3A_414 = vector.shape_cast %get3A_413 : vector<1x16xf32> to vector<16xf32>
      %mul3A_415 = arith.mulf %get3A_392, %get3A_414 : vector<16xf32>
      %add3A_416 = arith.addf %add3A_384, %mul3A_415 : vector<16xf32>
      %mul3A_417 = arith.constant 16 : i32
      %mul3A_418 = arith.muli %scan3A_90, %mul3A_417 : i32
      %add3A_419 = arith.constant 10 : i32
      %add3A_420 = arith.addi %mul3A_418, %add3A_419 : i32
      %get3A_421 = arith.index_cast %add3A_420 : i32 to index
      %get3A_422 = arith.constant 0 : index
      %get3A_423 = tpu.vector_load %arg7[%get3A_421, %get3A_422] {strides = array<i32>} : memref<512x16xf32, #tpu.memory_space<vmem>>, vector<1x16xf32>,
      %get3A_424 = vector.shape_cast %get3A_423 : vector<1x16xf32> to vector<16xf32>
      %get3A_425 = arith.index_cast %add3A_420 : i32 to index
      %get3A_426 = arith.constant 0 : index
      %get3A_427 = tpu.vector_load %arg8[%get3A_425, %get3A_426] {strides = array<i32>} : memref<512x64xf32, #tpu.memory_space<vmem>>, vector<1x16xf32>,
      %get3A_428 = vector.shape_cast %get3A_427 : vector<1x16xf32> to vector<16xf32>
      %mul3A_429 = arith.mulf %get3A_424, %get3A_428 : vector<16xf32>
      %add3A_430 = arith.addf %add3A_398, %mul3A_429 : vector<16xf32>
      %get3A_431 = arith.index_cast %add3A_420 : i32 to index
      %get3A_432 = arith.constant 16 : index
      %get3A_433 = tpu.vector_load %arg8[%get3A_431, %get3A_432] {strides = array<i32>} : memref<512x64xf32, #tpu.memory_space<vmem>>, vector<1x16xf32>,
      %get3A_434 = vector.shape_cast %get3A_433 : vector<1x16xf32> to vector<16xf32>
      %mul3A_435 = arith.mulf %get3A_424, %get3A_434 : vector<16xf32>
      %add3A_436 = arith.addf %add3A_404, %mul3A_435 : vector<16xf32>
      %get3A_437 = arith.index_cast %add3A_420 : i32 to index
      %get3A_438 = arith.constant 32 : index
      %get3A_439 = tpu.vector_load %arg8[%get3A_437, %get3A_438] {strides = array<i32>} : memref<512x64xf32, #tpu.memory_space<vmem>>, vector<1x16xf32>,
      %get3A_440 = vector.shape_cast %get3A_439 : vector<1x16xf32> to vector<16xf32>
      %mul3A_441 = arith.mulf %get3A_424, %get3A_440 : vector<16xf32>
      %add3A_442 = arith.addf %add3A_410, %mul3A_441 : vector<16xf32>
      %get3A_443 = arith.index_cast %add3A_420 : i32 to index
      %get3A_444 = arith.constant 48 : index
      %get3A_445 = tpu.vector_load %arg8[%get3A_443, %get3A_444] {strides = array<i32>} : memref<512x64xf32, #tpu.memory_space<vmem>>, vector<1x16xf32>,
      %get3A_446 = vector.shape_cast %get3A_445 : vector<1x16xf32> to vector<16xf32>
      %mul3A_447 = arith.mulf %get3A_424, %get3A_446 : vector<16xf32>
      %add3A_448 = arith.addf %add3A_416, %mul3A_447 : vector<16xf32>
      %mul3A_449 = arith.constant 16 : i32
      %mul3A_450 = arith.muli %scan3A_90, %mul3A_449 : i32
      %add3A_451 = arith.constant 11 : i32
      %add3A_452 = arith.addi %mul3A_450, %add3A_451 : i32
      %get3A_453 = arith.index_cast %add3A_452 : i32 to index
      %get3A_454 = arith.constant 0 : index
      %get3A_455 = tpu.vector_load %arg7[%get3A_453, %get3A_454] {strides = array<i32>} : memref<512x16xf32, #tpu.memory_space<vmem>>, vector<1x16xf32>,
      %get3A_456 = vector.shape_cast %get3A_455 : vector<1x16xf32> to vector<16xf32>
      %get3A_457 = arith.index_cast %add3A_452 : i32 to index
      %get3A_458 = arith.constant 0 : index
      %get3A_459 = tpu.vector_load %arg8[%get3A_457, %get3A_458] {strides = array<i32>} : memref<512x64xf32, #tpu.memory_space<vmem>>, vector<1x16xf32>,
      %get3A_460 = vector.shape_cast %get3A_459 : vector<1x16xf32> to vector<16xf32>
      %mul3A_461 = arith.mulf %get3A_456, %get3A_460 : vector<16xf32>
      %add3A_462 = arith.addf %add3A_430, %mul3A_461 : vector<16xf32>
      %get3A_463 = arith.index_cast %add3A_452 : i32 to index
      %get3A_464 = arith.constant 16 : index
      %get3A_465 = tpu.vector_load %arg8[%get3A_463, %get3A_464] {strides = array<i32>} : memref<512x64xf32, #tpu.memory_space<vmem>>, vector<1x16xf32>,
      %get3A_466 = vector.shape_cast %get3A_465 : vector<1x16xf32> to vector<16xf32>
      %mul3A_467 = arith.mulf %get3A_456, %get3A_466 : vector<16xf32>
      %add3A_468 = arith.addf %add3A_436, %mul3A_467 : vector<16xf32>
      %get3A_469 = arith.index_cast %add3A_452 : i32 to index
      %get3A_470 = arith.constant 32 : index
      %get3A_471 = tpu.vector_load %arg8[%get3A_469, %get3A_470] {strides = array<i32>} : memref<512x64xf32, #tpu.memory_space<vmem>>, vector<1x16xf32>,
      %get3A_472 = vector.shape_cast %get3A_471 : vector<1x16xf32> to vector<16xf32>
      %mul3A_473 = arith.mulf %get3A_456, %get3A_472 : vector<16xf32>
      %add3A_474 = arith.addf %add3A_442, %mul3A_473 : vector<16xf32>
      %get3A_475 = arith.index_cast %add3A_452 : i32 to index
      %get3A_476 = arith.constant 48 : index
      %get3A_477 = tpu.vector_load %arg8[%get3A_475, %get3A_476] {strides = array<i32>} : memref<512x64xf32, #tpu.memory_space<vmem>>, vector<1x16xf32>,
      %get3A_478 = vector.shape_cast %get3A_477 : vector<1x16xf32> to vector<16xf32>
      %mul3A_479 = arith.mulf %get3A_456, %get3A_478 : vector<16xf32>
      %add3A_480 = arith.addf %add3A_448, %mul3A_479 : vector<16xf32>
      %mul3A_481 = arith.constant 16 : i32
      %mul3A_482 = arith.muli %scan3A_90, %mul3A_481 : i32
      %add3A_483 = arith.constant 12 : i32
      %add3A_484 = arith.addi %mul3A_482, %add3A_483 : i32
      %get3A_485 = arith.index_cast %add3A_484 : i32 to index
      %get3A_486 = arith.constant 0 : index
      %get3A_487 = tpu.vector_load %arg7[%get3A_485, %get3A_486] {strides = array<i32>} : memref<512x16xf32, #tpu.memory_space<vmem>>, vector<1x16xf32>,
      %get3A_488 = vector.shape_cast %get3A_487 : vector<1x16xf32> to vector<16xf32>
      %get3A_489 = arith.index_cast %add3A_484 : i32 to index
      %get3A_490 = arith.constant 0 : index
      %get3A_491 = tpu.vector_load %arg8[%get3A_489, %get3A_490] {strides = array<i32>} : memref<512x64xf32, #tpu.memory_space<vmem>>, vector<1x16xf32>,
      %get3A_492 = vector.shape_cast %get3A_491 : vector<1x16xf32> to vector<16xf32>
      %mul3A_493 = arith.mulf %get3A_488, %get3A_492 : vector<16xf32>
      %add3A_494 = arith.addf %add3A_462, %mul3A_493 : vector<16xf32>
      %get3A_495 = arith.index_cast %add3A_484 : i32 to index
      %get3A_496 = arith.constant 16 : index
      %get3A_497 = tpu.vector_load %arg8[%get3A_495, %get3A_496] {strides = array<i32>} : memref<512x64xf32, #tpu.memory_space<vmem>>, vector<1x16xf32>,
      %get3A_498 = vector.shape_cast %get3A_497 : vector<1x16xf32> to vector<16xf32>
      %mul3A_499 = arith.mulf %get3A_488, %get3A_498 : vector<16xf32>
      %add3A_500 = arith.addf %add3A_468, %mul3A_499 : vector<16xf32>
      %get3A_501 = arith.index_cast %add3A_484 : i32 to index
      %get3A_502 = arith.constant 32 : index
      %get3A_503 = tpu.vector_load %arg8[%get3A_501, %get3A_502] {strides = array<i32>} : memref<512x64xf32, #tpu.memory_space<vmem>>, vector<1x16xf32>,
      %get3A_504 = vector.shape_cast %get3A_503 : vector<1x16xf32> to vector<16xf32>
      %mul3A_505 = arith.mulf %get3A_488, %get3A_504 : vector<16xf32>
      %add3A_506 = arith.addf %add3A_474, %mul3A_505 : vector<16xf32>
      %get3A_507 = arith.index_cast %add3A_484 : i32 to index
      %get3A_508 = arith.constant 48 : index
      %get3A_509 = tpu.vector_load %arg8[%get3A_507, %get3A_508] {strides = array<i32>} : memref<512x64xf32, #tpu.memory_space<vmem>>, vector<1x16xf32>,
      %get3A_510 = vector.shape_cast %get3A_509 : vector<1x16xf32> to vector<16xf32>
      %mul3A_511 = arith.mulf %get3A_488, %get3A_510 : vector<16xf32>
      %add3A_512 = arith.addf %add3A_480, %mul3A_511 : vector<16xf32>
      %mul3A_513 = arith.constant 16 : i32
      %mul3A_514 = arith.muli %scan3A_90, %mul3A_513 : i32
      %add3A_515 = arith.constant 13 : i32
      %add3A_516 = arith.addi %mul3A_514, %add3A_515 : i32
      %get3A_517 = arith.index_cast %add3A_516 : i32 to index
      %get3A_518 = arith.constant 0 : index
      %get3A_519 = tpu.vector_load %arg7[%get3A_517, %get3A_518] {strides = array<i32>} : memref<512x16xf32, #tpu.memory_space<vmem>>, vector<1x16xf32>,
      %get3A_520 = vector.shape_cast %get3A_519 : vector<1x16xf32> to vector<16xf32>
      %get3A_521 = arith.index_cast %add3A_516 : i32 to index
      %get3A_522 = arith.constant 0 : index
      %get3A_523 = tpu.vector_load %arg8[%get3A_521, %get3A_522] {strides = array<i32>} : memref<512x64xf32, #tpu.memory_space<vmem>>, vector<1x16xf32>,
      %get3A_524 = vector.shape_cast %get3A_523 : vector<1x16xf32> to vector<16xf32>
      %mul3A_525 = arith.mulf %get3A_520, %get3A_524 : vector<16xf32>
      %add3A_526 = arith.addf %add3A_494, %mul3A_525 : vector<16xf32>
      %get3A_527 = arith.index_cast %add3A_516 : i32 to index
      %get3A_528 = arith.constant 16 : index
      %get3A_529 = tpu.vector_load %arg8[%get3A_527, %get3A_528] {strides = array<i32>} : memref<512x64xf32, #tpu.memory_space<vmem>>, vector<1x16xf32>,
      %get3A_530 = vector.shape_cast %get3A_529 : vector<1x16xf32> to vector<16xf32>
      %mul3A_531 = arith.mulf %get3A_520, %get3A_530 : vector<16xf32>
      %add3A_532 = arith.addf %add3A_500, %mul3A_531 : vector<16xf32>
      %get3A_533 = arith.index_cast %add3A_516 : i32 to index
      %get3A_534 = arith.constant 32 : index
      %get3A_535 = tpu.vector_load %arg8[%get3A_533, %get3A_534] {strides = array<i32>} : memref<512x64xf32, #tpu.memory_space<vmem>>, vector<1x16xf32>,
      %get3A_536 = vector.shape_cast %get3A_535 : vector<1x16xf32> to vector<16xf32>
      %mul3A_537 = arith.mulf %get3A_520, %get3A_536 : vector<16xf32>
      %add3A_538 = arith.addf %add3A_506, %mul3A_537 : vector<16xf32>
      %get3A_539 = arith.index_cast %add3A_516 : i32 to index
      %get3A_540 = arith.constant 48 : index
      %get3A_541 = tpu.vector_load %arg8[%get3A_539, %get3A_540] {strides = array<i32>} : memref<512x64xf32, #tpu.memory_space<vmem>>, vector<1x16xf32>,
      %get3A_542 = vector.shape_cast %get3A_541 : vector<1x16xf32> to vector<16xf32>
      %mul3A_543 = arith.mulf %get3A_520, %get3A_542 : vector<16xf32>
      %add3A_544 = arith.addf %add3A_512, %mul3A_543 : vector<16xf32>
      %mul3A_545 = arith.constant 16 : i32
      %mul3A_546 = arith.muli %scan3A_90, %mul3A_545 : i32
      %add3A_547 = arith.constant 14 : i32
      %add3A_548 = arith.addi %mul3A_546, %add3A_547 : i32
      %get3A_549 = arith.index_cast %add3A_548 : i32 to index
      %get3A_550 = arith.constant 0 : index
      %get3A_551 = tpu.vector_load %arg7[%get3A_549, %get3A_550] {strides = array<i32>} : memref<512x16xf32, #tpu.memory_space<vmem>>, vector<1x16xf32>,
      %get3A_552 = vector.shape_cast %get3A_551 : vector<1x16xf32> to vector<16xf32>
      %get3A_553 = arith.index_cast %add3A_548 : i32 to index
      %get3A_554 = arith.constant 0 : index
      %get3A_555 = tpu.vector_load %arg8[%get3A_553, %get3A_554] {strides = array<i32>} : memref<512x64xf32, #tpu.memory_space<vmem>>, vector<1x16xf32>,
      %get3A_556 = vector.shape_cast %get3A_555 : vector<1x16xf32> to vector<16xf32>
      %mul3A_557 = arith.mulf %get3A_552, %get3A_556 : vector<16xf32>
      %add3A_558 = arith.addf %add3A_526, %mul3A_557 : vector<16xf32>
      %get3A_559 = arith.index_cast %add3A_548 : i32 to index
      %get3A_560 = arith.constant 16 : index
      %get3A_561 = tpu.vector_load %arg8[%get3A_559, %get3A_560] {strides = array<i32>} : memref<512x64xf32, #tpu.memory_space<vmem>>, vector<1x16xf32>,
      %get3A_562 = vector.shape_cast %get3A_561 : vector<1x16xf32> to vector<16xf32>
      %mul3A_563 = arith.mulf %get3A_552, %get3A_562 : vector<16xf32>
      %add3A_564 = arith.addf %add3A_532, %mul3A_563 : vector<16xf32>
      %get3A_565 = arith.index_cast %add3A_548 : i32 to index
      %get3A_566 = arith.constant 32 : index
      %get3A_567 = tpu.vector_load %arg8[%get3A_565, %get3A_566] {strides = array<i32>} : memref<512x64xf32, #tpu.memory_space<vmem>>, vector<1x16xf32>,
      %get3A_568 = vector.shape_cast %get3A_567 : vector<1x16xf32> to vector<16xf32>
      %mul3A_569 = arith.mulf %get3A_552, %get3A_568 : vector<16xf32>
      %add3A_570 = arith.addf %add3A_538, %mul3A_569 : vector<16xf32>
      %get3A_571 = arith.index_cast %add3A_548 : i32 to index
      %get3A_572 = arith.constant 48 : index
      %get3A_573 = tpu.vector_load %arg8[%get3A_571, %get3A_572] {strides = array<i32>} : memref<512x64xf32, #tpu.memory_space<vmem>>, vector<1x16xf32>,
      %get3A_574 = vector.shape_cast %get3A_573 : vector<1x16xf32> to vector<16xf32>
      %mul3A_575 = arith.mulf %get3A_552, %get3A_574 : vector<16xf32>
      %add3A_576 = arith.addf %add3A_544, %mul3A_575 : vector<16xf32>
      %mul3A_577 = arith.constant 16 : i32
      %mul3A_578 = arith.muli %scan3A_90, %mul3A_577 : i32
      %add3A_579 = arith.constant 15 : i32
      %add3A_580 = arith.addi %mul3A_578, %add3A_579 : i32
      %get3A_581 = arith.index_cast %add3A_580 : i32 to index
      %get3A_582 = arith.constant 0 : index
      %get3A_583 = tpu.vector_load %arg7[%get3A_581, %get3A_582] {strides = array<i32>} : memref<512x16xf32, #tpu.memory_space<vmem>>, vector<1x16xf32>,
      %get3A_584 = vector.shape_cast %get3A_583 : vector<1x16xf32> to vector<16xf32>
      %get3A_585 = arith.index_cast %add3A_580 : i32 to index
      %get3A_586 = arith.constant 0 : index
      %get3A_587 = tpu.vector_load %arg8[%get3A_585, %get3A_586] {strides = array<i32>} : memref<512x64xf32, #tpu.memory_space<vmem>>, vector<1x16xf32>,
      %get3A_588 = vector.shape_cast %get3A_587 : vector<1x16xf32> to vector<16xf32>
      %mul3A_589 = arith.mulf %get3A_584, %get3A_588 : vector<16xf32>
      %add3A_590 = arith.addf %add3A_558, %mul3A_589 : vector<16xf32>
      %get3A_591 = arith.index_cast %add3A_580 : i32 to index
      %get3A_592 = arith.constant 16 : index
      %get3A_593 = tpu.vector_load %arg8[%get3A_591, %get3A_592] {strides = array<i32>} : memref<512x64xf32, #tpu.memory_space<vmem>>, vector<1x16xf32>,
      %get3A_594 = vector.shape_cast %get3A_593 : vector<1x16xf32> to vector<16xf32>
      %mul3A_595 = arith.mulf %get3A_584, %get3A_594 : vector<16xf32>
      %add3A_596 = arith.addf %add3A_564, %mul3A_595 : vector<16xf32>
      %get3A_597 = arith.index_cast %add3A_580 : i32 to index
      %get3A_598 = arith.constant 32 : index
      %get3A_599 = tpu.vector_load %arg8[%get3A_597, %get3A_598] {strides = array<i32>} : memref<512x64xf32, #tpu.memory_space<vmem>>, vector<1x16xf32>,
      %get3A_600 = vector.shape_cast %get3A_599 : vector<1x16xf32> to vector<16xf32>
      %mul3A_601 = arith.mulf %get3A_584, %get3A_600 : vector<16xf32>
      %add3A_602 = arith.addf %add3A_570, %mul3A_601 : vector<16xf32>
      %get3A_603 = arith.index_cast %add3A_580 : i32 to index
      %get3A_604 = arith.constant 48 : index
      %get3A_605 = tpu.vector_load %arg8[%get3A_603, %get3A_604] {strides = array<i32>} : memref<512x64xf32, #tpu.memory_space<vmem>>, vector<1x16xf32>,
      %get3A_606 = vector.shape_cast %get3A_605 : vector<1x16xf32> to vector<16xf32>
      %mul3A_607 = arith.mulf %get3A_584, %get3A_606 : vector<16xf32>
      %add3A_608 = arith.addf %add3A_576, %mul3A_607 : vector<16xf32>
      %swap3A = arith.index_cast %scan3A_90 : i32 to index
      %swap3A_609 = arith.constant 0 : index
      %swap3A_610 = tpu.vector_load %arg9[%swap3A, %swap3A_609] {strides = array<i32>} : memref<32x64xf32, #tpu.memory_space<vmem>>, vector<1x16xf32>,
      %swap3A_611 = vector.shape_cast %swap3A_610 : vector<1x16xf32> to vector<16xf32>
      %swap3A_612 = vector.shape_cast %add3A_590 : vector<16xf32> to vector<1x16xf32>
      tpu.vector_store %arg9[%swap3A, %swap3A_609], %swap3A_612 {strides = array<i32>} : memref<32x64xf32, #tpu.memory_space<vmem>>, vector<1x16xf32>,
      %swap3A_613 = arith.index_cast %scan3A_90 : i32 to index
      %swap3A_614 = arith.constant 16 : index
      %swap3A_615 = tpu.vector_load %arg9[%swap3A_613, %swap3A_614] {strides = array<i32>} : memref<32x64xf32, #tpu.memory_space<vmem>>, vector<1x16xf32>,
      %swap3A_616 = vector.shape_cast %swap3A_615 : vector<1x16xf32> to vector<16xf32>
      %swap3A_617 = vector.shape_cast %add3A_596 : vector<16xf32> to vector<1x16xf32>
      tpu.vector_store %arg9[%swap3A_613, %swap3A_614], %swap3A_617 {strides = array<i32>} : memref<32x64xf32, #tpu.memory_space<vmem>>, vector<1x16xf32>,
      %swap3A_618 = arith.index_cast %scan3A_90 : i32 to index
      %swap3A_619 = arith.constant 32 : index
      %swap3A_620 = tpu.vector_load %arg9[%swap3A_618, %swap3A_619] {strides = array<i32>} : memref<32x64xf32, #tpu.memory_space<vmem>>, vector<1x16xf32>,
      %swap3A_621 = vector.shape_cast %swap3A_620 : vector<1x16xf32> to vector<16xf32>
      %swap3A_622 = vector.shape_cast %add3A_602 : vector<16xf32> to vector<1x16xf32>
      tpu.vector_store %arg9[%swap3A_618, %swap3A_619], %swap3A_622 {strides = array<i32>} : memref<32x64xf32, #tpu.memory_space<vmem>>, vector<1x16xf32>,
      %swap3A_623 = arith.index_cast %scan3A_90 : i32 to index
      %swap3A_624 = arith.constant 48 : index
      %swap3A_625 = tpu.vector_load %arg9[%swap3A_623, %swap3A_624] {strides = array<i32>} : memref<32x64xf32, #tpu.memory_space<vmem>>, vector<1x16xf32>,
      %swap3A_626 = vector.shape_cast %swap3A_625 : vector<1x16xf32> to vector<16xf32>
      %swap3A_627 = vector.shape_cast %add3A_608 : vector<16xf32> to vector<1x16xf32>
      tpu.vector_store %arg9[%swap3A_623, %swap3A_624], %swap3A_627 {strides = array<i32>} : memref<32x64xf32, #tpu.memory_space<vmem>>, vector<1x16xf32>,
    }
    %scan3A_87 = arith.constant 32 : i32
    %mul3A_88 = arith.constant 32 : i32
    %mul3A_89 = arith.muli %add3A, %mul3A_88 : i32
    "tpu.region"() ({
      %run_scoped3A = tpu.sem_alloc : memref<!tpu.dma_semaphore, #tpu.memory_space<semaphore_mem>>
      %dma_start3A_90 = arith.constant 0 : i32
      %dma_start3A_91 = tpu.memref_slice %arg5[%mul3A_89, %dma_start3A_90] : memref<1024x64xf32, #tpu.memory_space<hbm>> -> memref<32x64xf32, #tpu.memory_space<hbm>>
      %dma_start3A_92 = arith.constant 0 : i32
      %dma_start3A_93 = tpu.memref_slice %arg5[%mul3A_89, %dma_start3A_92] : memref<1024x64xf32, #tpu.memory_space<hbm>> -> memref<32x64xf32, #tpu.memory_space<hbm>>
      tpu.enqueue_dma source(%arg9 : memref<32x64xf32, #tpu.memory_space<vmem>>) target(%dma_start3A_93 : memref<32x64xf32, #tpu.memory_space<hbm>>) target_semaphore(%run_scoped3A : memref<!tpu.dma_semaphore, #tpu.memory_space<semaphore_mem>>)
      %dma_wait3A_94 = arith.constant 0 : i32
      %dma_wait3A_95 = tpu.memref_slice %arg5[%mul3A_89, %dma_wait3A_94] : memref<1024x64xf32, #tpu.memory_space<hbm>> -> memref<32x64xf32, #tpu.memory_space<hbm>>
      %dma_wait3A_96 = arith.constant 0 : i32
      %dma_wait3A_97 = tpu.memref_slice %arg5[%mul3A_89, %dma_wait3A_96] : memref<1024x64xf32, #tpu.memory_space<hbm>> -> memref<32x64xf32, #tpu.memory_space<hbm>>
      tpu.wait_dma2 semaphore(%run_scoped3A : memref<!tpu.dma_semaphore, #tpu.memory_space<semaphore_mem>>) src(%arg9 : memref<32x64xf32, #tpu.memory_space<vmem>>) dst(%dma_wait3A_97 : memref<32x64xf32, #tpu.memory_space<hbm>>)
      tpu.yield
    }) : () -> ()
    return
  }
}

module attributes {stable_mosaic.version = 14 : i64} {
  func.func @_search_body(%arg0: i32, %arg1: memref<1024x16xf32, #tpu.memory_space<vmem>>, %arg2: memref<1024x16xf32, #tpu.memory_space<vmem>>, %arg3: memref<1024x256xf32, #tpu.memory_space<vmem>>, %arg4: memref<1024x128xi32, #tpu.memory_space<vmem>>, %arg5: memref<1024x128xf32, #tpu.memory_space<vmem>>, %arg6: memref<1024x1024xf32, #tpu.memory_space<vmem>>) attributes {dimension_semantics = [#tpu.dimension_semantics<arbitrary>], iteration_bounds = array<i64: 98>, scalar_prefetch = 0 : i64, scratch_operands = 1 : i64, tpu.core_type = #tpu.core_type<tc>, window_params = [{pipeline_mode = #tpu.pipeline_mode<synchronous>, transform_indices = @transform_0, window_bounds = array<i64: 1024, 16>}, {transform_indices = @transform_1, window_bounds = array<i64: 1024, 16>}, {pipeline_mode = #tpu.pipeline_mode<synchronous>, transform_indices = @transform_2, window_bounds = array<i64: 1024, 256>}, {pipeline_mode = #tpu.pipeline_mode<synchronous>, transform_indices = @transform_3, window_bounds = array<i64: 1024, 128>}, {pipeline_mode = #tpu.pipeline_mode<synchronous>, transform_indices = @transform_4, window_bounds = array<i64: 1024, 128>}]} {
    %get3A = arith.constant 0 : index
    %get3A_0 = arith.constant 0 : index
    %get3A_1 = vector.load %arg1[%get3A, %get3A_0] : memref<1024x16xf32, #tpu.memory_space<vmem>>, vector<1024x16xf32>
    %get3A_2 = arith.constant 0 : index
    %get3A_3 = arith.constant 0 : index
    %get3A_4 = vector.load %arg2[%get3A_2, %get3A_3] : memref<1024x16xf32, #tpu.memory_space<vmem>>, vector<1024x16xf32>
    %mul3A = arith.mulf %get3A_1, %get3A_1 : vector<1024x16xf32>
    %reduce_sum3A = arith.constant dense<0.000000e+00> : vector<1024xf32>
    %reduce_sum3A_5 = vector.multi_reduction <add>, %mul3A, %reduce_sum3A [1] : vector<1024x16xf32> to vector<1024xf32>
    %broadcast_in_dim3A = vector.shape_cast %reduce_sum3A_5 : vector<1024xf32> to vector<1024x1xf32>
    %mul3A_6 = arith.constant 1024 : i32
    %mul3A_7 = arith.muli %arg0, %mul3A_6 : i32
    %iota3A = tpu.iota {dimensions = array<i32: 1>} : vector<1x1024xi32>
    %add3A = vector.broadcast %mul3A_7 : i32 to vector<1x1024xi32>
    %add3A_8 = arith.addi %add3A, %iota3A : vector<1x1024xi32>
    %lt3A = arith.constant 100000 : i32
    %lt3A_9 = vector.broadcast %lt3A : i32 to vector<1x1024xi32>
    %lt3A_10 = arith.cmpi slt, %add3A_8, %lt3A_9 : vector<1x1024xi32>
    %mul3A_11 = arith.mulf %get3A_4, %get3A_4 : vector<1024x16xf32>
    %reduce_sum3A_12 = arith.constant dense<0.000000e+00> : vector<1024xf32>
    %reduce_sum3A_13 = vector.multi_reduction <add>, %mul3A_11, %reduce_sum3A_12 [1] : vector<1024x16xf32> to vector<1024xf32>
    %broadcast_in_dim3A_14 = vector.shape_cast %reduce_sum3A_13 : vector<1024xf32> to vector<1x1024xf32>
    %jit3A = arith.constant 0x7F800000 : f32
    %broadcast_in_dim3A_15 = vector.broadcast %jit3A : f32 to vector<1x1024xf32>
    %select_n3A = arith.select %lt3A_10, %broadcast_in_dim3A_14, %broadcast_in_dim3A_15 : vector<1x1024xi1>, vector<1x1024xf32>
    %add3A_16 = vector.broadcast %broadcast_in_dim3A : vector<1024x1xf32> to vector<1024x1024xf32>
    %add3A_17 = vector.broadcast %select_n3A : vector<1x1024xf32> to vector<1024x1024xf32>
    %add3A_18 = arith.addf %add3A_16, %add3A_17 : vector<1024x1024xf32>
    %dot_general3A = arith.constant dense<0.000000e+00> : vector<1024x1024xf32>
    %dot_general3A_19 = tpu.matmul %get3A_1, %get3A_4, %dot_general3A {dimension_numbers = #tpu.dot_dimension_numbers<[1], [1], [0], [0], [0, 0, 1, 0], [], []>, transpose_lhs_hint = false} : vector<1024x16xf32>, vector<1024x16xf32>, vector<1024x1024xf32> -> vector<1024x1024xf32>
    %mul3A_20 = arith.constant 2.000000e+00 : f32
    %mul3A_21 = vector.broadcast %mul3A_20 : f32 to vector<1024x1024xf32>
    %mul3A_22 = arith.mulf %mul3A_21, %dot_general3A_19 : vector<1024x1024xf32>
    %sub3A = arith.subf %add3A_18, %mul3A_22 : vector<1024x1024xf32>
    %broadcast_in_dim3A_23 = vector.shape_cast %add3A_8 : vector<1x1024xi32> to vector<1x1024xi32>
    %broadcast_in_dim3A_24 = vector.broadcast %broadcast_in_dim3A_23 : vector<1x1024xi32> to vector<1024x1024xi32>
    %broadcast_in_dim3A_25 = arith.constant 0x7F800000 : f32
    %broadcast_in_dim3A_26 = vector.broadcast %broadcast_in_dim3A_25 : f32 to vector<1024x112xf32>
    %broadcast_in_dim3A_27 = arith.constant 2147483647 : i32
    %broadcast_in_dim3A_28 = vector.broadcast %broadcast_in_dim3A_27 : i32 to vector<1024x112xi32>
    %eq3A = arith.constant 0 : i32
    %eq3A_29 = arith.cmpi eq, %arg0, %eq3A : i32
    %convert_element_type3A = arith.extui %eq3A_29 : i1 to i32
    %cond3A = arith.constant 0 : i32
    %cond3A_30 = arith.cmpi ne, %convert_element_type3A, %cond3A : i32
    scf.if %cond3A_30 {
      %reduce_min3A = arith.constant dense<0x7F800000> : vector<1024xf32>
      %reduce_min3A_40 = vector.multi_reduction <minimumf>, %sub3A, %reduce_min3A [1] : vector<1024x1024xf32> to vector<1024xf32>
      %broadcast_in_dim3A_41 = vector.shape_cast %reduce_min3A_40 : vector<1024xf32> to vector<1024x1xf32>
      %eq3A_42 = vector.broadcast %broadcast_in_dim3A_41 : vector<1024x1xf32> to vector<1024x1024xf32>
      %eq3A_43 = arith.cmpf oeq, %sub3A, %eq3A_42 : vector<1024x1024xf32>
      %jit3A_44 = arith.constant 2147483647 : i32
      %broadcast_in_dim3A_45 = vector.broadcast %jit3A_44 : i32 to vector<1024x1024xi32>
      %select_n3A_46 = arith.select %eq3A_43, %broadcast_in_dim3A_24, %broadcast_in_dim3A_45 : vector<1024x1024xi1>, vector<1024x1024xi32>
      %reduce_min3A_47 = arith.constant dense<2147483647> : vector<1024xi32>
      %reduce_min3A_48 = vector.multi_reduction <minsi>, %select_n3A_46, %reduce_min3A_47 [1] : vector<1024x1024xi32> to vector<1024xi32>
      %broadcast_in_dim3A_49 = vector.shape_cast %reduce_min3A_48 : vector<1024xi32> to vector<1024x1xi32>
      %eq3A_50 = vector.broadcast %broadcast_in_dim3A_49 : vector<1024x1xi32> to vector<1024x1024xi32>
      %eq3A_51 = arith.cmpi eq, %broadcast_in_dim3A_24, %eq3A_50 : vector<1024x1024xi32>
      %and3A = arith.andi %eq3A_43, %eq3A_51 : vector<1024x1024xi1>
      %jit3A_52 = arith.constant 0x7F800000 : f32
      %broadcast_in_dim3A_53 = vector.broadcast %jit3A_52 : f32 to vector<1024x1024xf32>
      %select_n3A_54 = arith.select %and3A, %broadcast_in_dim3A_53, %sub3A : vector<1024x1024xi1>, vector<1024x1024xf32>
      %reduce_min3A_55 = arith.constant dense<0x7F800000> : vector<1024xf32>
      %reduce_min3A_56 = vector.multi_reduction <minimumf>, %select_n3A_54, %reduce_min3A_55 [1] : vector<1024x1024xf32> to vector<1024xf32>
      %broadcast_in_dim3A_57 = vector.shape_cast %reduce_min3A_56 : vector<1024xf32> to vector<1024x1xf32>
      %eq3A_58 = vector.broadcast %broadcast_in_dim3A_57 : vector<1024x1xf32> to vector<1024x1024xf32>
      %eq3A_59 = arith.cmpf oeq, %select_n3A_54, %eq3A_58 : vector<1024x1024xf32>
      %jit3A_60 = arith.constant 2147483647 : i32
      %broadcast_in_dim3A_61 = vector.broadcast %jit3A_60 : i32 to vector<1024x1024xi32>
      %select_n3A_62 = arith.select %eq3A_59, %broadcast_in_dim3A_24, %broadcast_in_dim3A_61 : vector<1024x1024xi1>, vector<1024x1024xi32>
      %reduce_min3A_63 = arith.constant dense<2147483647> : vector<1024xi32>
      %reduce_min3A_64 = vector.multi_reduction <minsi>, %select_n3A_62, %reduce_min3A_63 [1] : vector<1024x1024xi32> to vector<1024xi32>
      %broadcast_in_dim3A_65 = vector.shape_cast %reduce_min3A_64 : vector<1024xi32> to vector<1024x1xi32>
      %eq3A_66 = vector.broadcast %broadcast_in_dim3A_65 : vector<1024x1xi32> to vector<1024x1024xi32>
      %eq3A_67 = arith.cmpi eq, %broadcast_in_dim3A_24, %eq3A_66 : vector<1024x1024xi32>
      %and3A_68 = arith.andi %eq3A_59, %eq3A_67 : vector<1024x1024xi1>
      %jit3A_69 = arith.constant 0x7F800000 : f32
      %broadcast_in_dim3A_70 = vector.broadcast %jit3A_69 : f32 to vector<1024x1024xf32>
      %select_n3A_71 = arith.select %and3A_68, %broadcast_in_dim3A_70, %select_n3A_54 : vector<1024x1024xi1>, vector<1024x1024xf32>
      %reduce_min3A_72 = arith.constant dense<0x7F800000> : vector<1024xf32>
      %reduce_min3A_73 = vector.multi_reduction <minimumf>, %select_n3A_71, %reduce_min3A_72 [1] : vector<1024x1024xf32> to vector<1024xf32>
      %broadcast_in_dim3A_74 = vector.shape_cast %reduce_min3A_73 : vector<1024xf32> to vector<1024x1xf32>
      %eq3A_75 = vector.broadcast %broadcast_in_dim3A_74 : vector<1024x1xf32> to vector<1024x1024xf32>
      %eq3A_76 = arith.cmpf oeq, %select_n3A_71, %eq3A_75 : vector<1024x1024xf32>
      %jit3A_77 = arith.constant 2147483647 : i32
      %broadcast_in_dim3A_78 = vector.broadcast %jit3A_77 : i32 to vector<1024x1024xi32>
      %select_n3A_79 = arith.select %eq3A_76, %broadcast_in_dim3A_24, %broadcast_in_dim3A_78 : vector<1024x1024xi1>, vector<1024x1024xi32>
      %reduce_min3A_80 = arith.constant dense<2147483647> : vector<1024xi32>
      %reduce_min3A_81 = vector.multi_reduction <minsi>, %select_n3A_79, %reduce_min3A_80 [1] : vector<1024x1024xi32> to vector<1024xi32>
      %broadcast_in_dim3A_82 = vector.shape_cast %reduce_min3A_81 : vector<1024xi32> to vector<1024x1xi32>
      %eq3A_83 = vector.broadcast %broadcast_in_dim3A_82 : vector<1024x1xi32> to vector<1024x1024xi32>
      %eq3A_84 = arith.cmpi eq, %broadcast_in_dim3A_24, %eq3A_83 : vector<1024x1024xi32>
      %and3A_85 = arith.andi %eq3A_76, %eq3A_84 : vector<1024x1024xi1>
      %jit3A_86 = arith.constant 0x7F800000 : f32
      %broadcast_in_dim3A_87 = vector.broadcast %jit3A_86 : f32 to vector<1024x1024xf32>
      %select_n3A_88 = arith.select %and3A_85, %broadcast_in_dim3A_87, %select_n3A_71 : vector<1024x1024xi1>, vector<1024x1024xf32>
      %reduce_min3A_89 = arith.constant dense<0x7F800000> : vector<1024xf32>
      %reduce_min3A_90 = vector.multi_reduction <minimumf>, %select_n3A_88, %reduce_min3A_89 [1] : vector<1024x1024xf32> to vector<1024xf32>
      %broadcast_in_dim3A_91 = vector.shape_cast %reduce_min3A_90 : vector<1024xf32> to vector<1024x1xf32>
      %eq3A_92 = vector.broadcast %broadcast_in_dim3A_91 : vector<1024x1xf32> to vector<1024x1024xf32>
      %eq3A_93 = arith.cmpf oeq, %select_n3A_88, %eq3A_92 : vector<1024x1024xf32>
      %jit3A_94 = arith.constant 2147483647 : i32
      %broadcast_in_dim3A_95 = vector.broadcast %jit3A_94 : i32 to vector<1024x1024xi32>
      %select_n3A_96 = arith.select %eq3A_93, %broadcast_in_dim3A_24, %broadcast_in_dim3A_95 : vector<1024x1024xi1>, vector<1024x1024xi32>
      %reduce_min3A_97 = arith.constant dense<2147483647> : vector<1024xi32>
      %reduce_min3A_98 = vector.multi_reduction <minsi>, %select_n3A_96, %reduce_min3A_97 [1] : vector<1024x1024xi32> to vector<1024xi32>
      %broadcast_in_dim3A_99 = vector.shape_cast %reduce_min3A_98 : vector<1024xi32> to vector<1024x1xi32>
      %eq3A_100 = vector.broadcast %broadcast_in_dim3A_99 : vector<1024x1xi32> to vector<1024x1024xi32>
      %eq3A_101 = arith.cmpi eq, %broadcast_in_dim3A_24, %eq3A_100 : vector<1024x1024xi32>
      %and3A_102 = arith.andi %eq3A_93, %eq3A_101 : vector<1024x1024xi1>
      %jit3A_103 = arith.constant 0x7F800000 : f32
      %broadcast_in_dim3A_104 = vector.broadcast %jit3A_103 : f32 to vector<1024x1024xf32>
      %select_n3A_105 = arith.select %and3A_102, %broadcast_in_dim3A_104, %select_n3A_88 : vector<1024x1024xi1>, vector<1024x1024xf32>
      %reduce_min3A_106 = arith.constant dense<0x7F800000> : vector<1024xf32>
      %reduce_min3A_107 = vector.multi_reduction <minimumf>, %select_n3A_105, %reduce_min3A_106 [1] : vector<1024x1024xf32> to vector<1024xf32>
      %broadcast_in_dim3A_108 = vector.shape_cast %reduce_min3A_107 : vector<1024xf32> to vector<1024x1xf32>
      %eq3A_109 = vector.broadcast %broadcast_in_dim3A_108 : vector<1024x1xf32> to vector<1024x1024xf32>
      %eq3A_110 = arith.cmpf oeq, %select_n3A_105, %eq3A_109 : vector<1024x1024xf32>
      %jit3A_111 = arith.constant 2147483647 : i32
      %broadcast_in_dim3A_112 = vector.broadcast %jit3A_111 : i32 to vector<1024x1024xi32>
      %select_n3A_113 = arith.select %eq3A_110, %broadcast_in_dim3A_24, %broadcast_in_dim3A_112 : vector<1024x1024xi1>, vector<1024x1024xi32>
      %reduce_min3A_114 = arith.constant dense<2147483647> : vector<1024xi32>
      %reduce_min3A_115 = vector.multi_reduction <minsi>, %select_n3A_113, %reduce_min3A_114 [1] : vector<1024x1024xi32> to vector<1024xi32>
      %broadcast_in_dim3A_116 = vector.shape_cast %reduce_min3A_115 : vector<1024xi32> to vector<1024x1xi32>
      %eq3A_117 = vector.broadcast %broadcast_in_dim3A_116 : vector<1024x1xi32> to vector<1024x1024xi32>
      %eq3A_118 = arith.cmpi eq, %broadcast_in_dim3A_24, %eq3A_117 : vector<1024x1024xi32>
      %and3A_119 = arith.andi %eq3A_110, %eq3A_118 : vector<1024x1024xi1>
      %jit3A_120 = arith.constant 0x7F800000 : f32
      %broadcast_in_dim3A_121 = vector.broadcast %jit3A_120 : f32 to vector<1024x1024xf32>
      %select_n3A_122 = arith.select %and3A_119, %broadcast_in_dim3A_121, %select_n3A_105 : vector<1024x1024xi1>, vector<1024x1024xf32>
      %reduce_min3A_123 = arith.constant dense<0x7F800000> : vector<1024xf32>
      %reduce_min3A_124 = vector.multi_reduction <minimumf>, %select_n3A_122, %reduce_min3A_123 [1] : vector<1024x1024xf32> to vector<1024xf32>
      %broadcast_in_dim3A_125 = vector.shape_cast %reduce_min3A_124 : vector<1024xf32> to vector<1024x1xf32>
      %eq3A_126 = vector.broadcast %broadcast_in_dim3A_125 : vector<1024x1xf32> to vector<1024x1024xf32>
      %eq3A_127 = arith.cmpf oeq, %select_n3A_122, %eq3A_126 : vector<1024x1024xf32>
      %jit3A_128 = arith.constant 2147483647 : i32
      %broadcast_in_dim3A_129 = vector.broadcast %jit3A_128 : i32 to vector<1024x1024xi32>
      %select_n3A_130 = arith.select %eq3A_127, %broadcast_in_dim3A_24, %broadcast_in_dim3A_129 : vector<1024x1024xi1>, vector<1024x1024xi32>
      %reduce_min3A_131 = arith.constant dense<2147483647> : vector<1024xi32>
      %reduce_min3A_132 = vector.multi_reduction <minsi>, %select_n3A_130, %reduce_min3A_131 [1] : vector<1024x1024xi32> to vector<1024xi32>
      %broadcast_in_dim3A_133 = vector.shape_cast %reduce_min3A_132 : vector<1024xi32> to vector<1024x1xi32>
      %eq3A_134 = vector.broadcast %broadcast_in_dim3A_133 : vector<1024x1xi32> to vector<1024x1024xi32>
      %eq3A_135 = arith.cmpi eq, %broadcast_in_dim3A_24, %eq3A_134 : vector<1024x1024xi32>
      %and3A_136 = arith.andi %eq3A_127, %eq3A_135 : vector<1024x1024xi1>
      %jit3A_137 = arith.constant 0x7F800000 : f32
      %broadcast_in_dim3A_138 = vector.broadcast %jit3A_137 : f32 to vector<1024x1024xf32>
      %select_n3A_139 = arith.select %and3A_136, %broadcast_in_dim3A_138, %select_n3A_122 : vector<1024x1024xi1>, vector<1024x1024xf32>
      %reduce_min3A_140 = arith.constant dense<0x7F800000> : vector<1024xf32>
      %reduce_min3A_141 = vector.multi_reduction <minimumf>, %select_n3A_139, %reduce_min3A_140 [1] : vector<1024x1024xf32> to vector<1024xf32>
      %broadcast_in_dim3A_142 = vector.shape_cast %reduce_min3A_141 : vector<1024xf32> to vector<1024x1xf32>
      %eq3A_143 = vector.broadcast %broadcast_in_dim3A_142 : vector<1024x1xf32> to vector<1024x1024xf32>
      %eq3A_144 = arith.cmpf oeq, %select_n3A_139, %eq3A_143 : vector<1024x1024xf32>
      %jit3A_145 = arith.constant 2147483647 : i32
      %broadcast_in_dim3A_146 = vector.broadcast %jit3A_145 : i32 to vector<1024x1024xi32>
      %select_n3A_147 = arith.select %eq3A_144, %broadcast_in_dim3A_24, %broadcast_in_dim3A_146 : vector<1024x1024xi1>, vector<1024x1024xi32>
      %reduce_min3A_148 = arith.constant dense<2147483647> : vector<1024xi32>
      %reduce_min3A_149 = vector.multi_reduction <minsi>, %select_n3A_147, %reduce_min3A_148 [1] : vector<1024x1024xi32> to vector<1024xi32>
      %broadcast_in_dim3A_150 = vector.shape_cast %reduce_min3A_149 : vector<1024xi32> to vector<1024x1xi32>
      %eq3A_151 = vector.broadcast %broadcast_in_dim3A_150 : vector<1024x1xi32> to vector<1024x1024xi32>
      %eq3A_152 = arith.cmpi eq, %broadcast_in_dim3A_24, %eq3A_151 : vector<1024x1024xi32>
      %and3A_153 = arith.andi %eq3A_144, %eq3A_152 : vector<1024x1024xi1>
      %jit3A_154 = arith.constant 0x7F800000 : f32
      %broadcast_in_dim3A_155 = vector.broadcast %jit3A_154 : f32 to vector<1024x1024xf32>
      %select_n3A_156 = arith.select %and3A_153, %broadcast_in_dim3A_155, %select_n3A_139 : vector<1024x1024xi1>, vector<1024x1024xf32>
      %reduce_min3A_157 = arith.constant dense<0x7F800000> : vector<1024xf32>
      %reduce_min3A_158 = vector.multi_reduction <minimumf>, %select_n3A_156, %reduce_min3A_157 [1] : vector<1024x1024xf32> to vector<1024xf32>
      %broadcast_in_dim3A_159 = vector.shape_cast %reduce_min3A_158 : vector<1024xf32> to vector<1024x1xf32>
      %eq3A_160 = vector.broadcast %broadcast_in_dim3A_159 : vector<1024x1xf32> to vector<1024x1024xf32>
      %eq3A_161 = arith.cmpf oeq, %select_n3A_156, %eq3A_160 : vector<1024x1024xf32>
      %jit3A_162 = arith.constant 2147483647 : i32
      %broadcast_in_dim3A_163 = vector.broadcast %jit3A_162 : i32 to vector<1024x1024xi32>
      %select_n3A_164 = arith.select %eq3A_161, %broadcast_in_dim3A_24, %broadcast_in_dim3A_163 : vector<1024x1024xi1>, vector<1024x1024xi32>
      %reduce_min3A_165 = arith.constant dense<2147483647> : vector<1024xi32>
      %reduce_min3A_166 = vector.multi_reduction <minsi>, %select_n3A_164, %reduce_min3A_165 [1] : vector<1024x1024xi32> to vector<1024xi32>
      %broadcast_in_dim3A_167 = vector.shape_cast %reduce_min3A_166 : vector<1024xi32> to vector<1024x1xi32>
      %eq3A_168 = vector.broadcast %broadcast_in_dim3A_167 : vector<1024x1xi32> to vector<1024x1024xi32>
      %eq3A_169 = arith.cmpi eq, %broadcast_in_dim3A_24, %eq3A_168 : vector<1024x1024xi32>
      %and3A_170 = arith.andi %eq3A_161, %eq3A_169 : vector<1024x1024xi1>
      %jit3A_171 = arith.constant 0x7F800000 : f32
      %broadcast_in_dim3A_172 = vector.broadcast %jit3A_171 : f32 to vector<1024x1024xf32>
      %select_n3A_173 = arith.select %and3A_170, %broadcast_in_dim3A_172, %select_n3A_156 : vector<1024x1024xi1>, vector<1024x1024xf32>
      %reduce_min3A_174 = arith.constant dense<0x7F800000> : vector<1024xf32>
      %reduce_min3A_175 = vector.multi_reduction <minimumf>, %select_n3A_173, %reduce_min3A_174 [1] : vector<1024x1024xf32> to vector<1024xf32>
      %broadcast_in_dim3A_176 = vector.shape_cast %reduce_min3A_175 : vector<1024xf32> to vector<1024x1xf32>
      %eq3A_177 = vector.broadcast %broadcast_in_dim3A_176 : vector<1024x1xf32> to vector<1024x1024xf32>
      %eq3A_178 = arith.cmpf oeq, %select_n3A_173, %eq3A_177 : vector<1024x1024xf32>
      %jit3A_179 = arith.constant 2147483647 : i32
      %broadcast_in_dim3A_180 = vector.broadcast %jit3A_179 : i32 to vector<1024x1024xi32>
      %select_n3A_181 = arith.select %eq3A_178, %broadcast_in_dim3A_24, %broadcast_in_dim3A_180 : vector<1024x1024xi1>, vector<1024x1024xi32>
      %reduce_min3A_182 = arith.constant dense<2147483647> : vector<1024xi32>
      %reduce_min3A_183 = vector.multi_reduction <minsi>, %select_n3A_181, %reduce_min3A_182 [1] : vector<1024x1024xi32> to vector<1024xi32>
      %broadcast_in_dim3A_184 = vector.shape_cast %reduce_min3A_183 : vector<1024xi32> to vector<1024x1xi32>
      %eq3A_185 = vector.broadcast %broadcast_in_dim3A_184 : vector<1024x1xi32> to vector<1024x1024xi32>
      %eq3A_186 = arith.cmpi eq, %broadcast_in_dim3A_24, %eq3A_185 : vector<1024x1024xi32>
      %and3A_187 = arith.andi %eq3A_178, %eq3A_186 : vector<1024x1024xi1>
      %jit3A_188 = arith.constant 0x7F800000 : f32
      %broadcast_in_dim3A_189 = vector.broadcast %jit3A_188 : f32 to vector<1024x1024xf32>
      %select_n3A_190 = arith.select %and3A_187, %broadcast_in_dim3A_189, %select_n3A_173 : vector<1024x1024xi1>, vector<1024x1024xf32>
      %reduce_min3A_191 = arith.constant dense<0x7F800000> : vector<1024xf32>
      %reduce_min3A_192 = vector.multi_reduction <minimumf>, %select_n3A_190, %reduce_min3A_191 [1] : vector<1024x1024xf32> to vector<1024xf32>
      %broadcast_in_dim3A_193 = vector.shape_cast %reduce_min3A_192 : vector<1024xf32> to vector<1024x1xf32>
      %eq3A_194 = vector.broadcast %broadcast_in_dim3A_193 : vector<1024x1xf32> to vector<1024x1024xf32>
      %eq3A_195 = arith.cmpf oeq, %select_n3A_190, %eq3A_194 : vector<1024x1024xf32>
      %jit3A_196 = arith.constant 2147483647 : i32
      %broadcast_in_dim3A_197 = vector.broadcast %jit3A_196 : i32 to vector<1024x1024xi32>
      %select_n3A_198 = arith.select %eq3A_195, %broadcast_in_dim3A_24, %broadcast_in_dim3A_197 : vector<1024x1024xi1>, vector<1024x1024xi32>
      %reduce_min3A_199 = arith.constant dense<2147483647> : vector<1024xi32>
      %reduce_min3A_200 = vector.multi_reduction <minsi>, %select_n3A_198, %reduce_min3A_199 [1] : vector<1024x1024xi32> to vector<1024xi32>
      %broadcast_in_dim3A_201 = vector.shape_cast %reduce_min3A_200 : vector<1024xi32> to vector<1024x1xi32>
      %eq3A_202 = vector.broadcast %broadcast_in_dim3A_201 : vector<1024x1xi32> to vector<1024x1024xi32>
      %eq3A_203 = arith.cmpi eq, %broadcast_in_dim3A_24, %eq3A_202 : vector<1024x1024xi32>
      %and3A_204 = arith.andi %eq3A_195, %eq3A_203 : vector<1024x1024xi1>
      %jit3A_205 = arith.constant 0x7F800000 : f32
      %broadcast_in_dim3A_206 = vector.broadcast %jit3A_205 : f32 to vector<1024x1024xf32>
      %select_n3A_207 = arith.select %and3A_204, %broadcast_in_dim3A_206, %select_n3A_190 : vector<1024x1024xi1>, vector<1024x1024xf32>
      %reduce_min3A_208 = arith.constant dense<0x7F800000> : vector<1024xf32>
      %reduce_min3A_209 = vector.multi_reduction <minimumf>, %select_n3A_207, %reduce_min3A_208 [1] : vector<1024x1024xf32> to vector<1024xf32>
      %broadcast_in_dim3A_210 = vector.shape_cast %reduce_min3A_209 : vector<1024xf32> to vector<1024x1xf32>
      %eq3A_211 = vector.broadcast %broadcast_in_dim3A_210 : vector<1024x1xf32> to vector<1024x1024xf32>
      %eq3A_212 = arith.cmpf oeq, %select_n3A_207, %eq3A_211 : vector<1024x1024xf32>
      %jit3A_213 = arith.constant 2147483647 : i32
      %broadcast_in_dim3A_214 = vector.broadcast %jit3A_213 : i32 to vector<1024x1024xi32>
      %select_n3A_215 = arith.select %eq3A_212, %broadcast_in_dim3A_24, %broadcast_in_dim3A_214 : vector<1024x1024xi1>, vector<1024x1024xi32>
      %reduce_min3A_216 = arith.constant dense<2147483647> : vector<1024xi32>
      %reduce_min3A_217 = vector.multi_reduction <minsi>, %select_n3A_215, %reduce_min3A_216 [1] : vector<1024x1024xi32> to vector<1024xi32>
      %broadcast_in_dim3A_218 = vector.shape_cast %reduce_min3A_217 : vector<1024xi32> to vector<1024x1xi32>
      %eq3A_219 = vector.broadcast %broadcast_in_dim3A_218 : vector<1024x1xi32> to vector<1024x1024xi32>
      %eq3A_220 = arith.cmpi eq, %broadcast_in_dim3A_24, %eq3A_219 : vector<1024x1024xi32>
      %and3A_221 = arith.andi %eq3A_212, %eq3A_220 : vector<1024x1024xi1>
      %jit3A_222 = arith.constant 0x7F800000 : f32
      %broadcast_in_dim3A_223 = vector.broadcast %jit3A_222 : f32 to vector<1024x1024xf32>
      %select_n3A_224 = arith.select %and3A_221, %broadcast_in_dim3A_223, %select_n3A_207 : vector<1024x1024xi1>, vector<1024x1024xf32>
      %reduce_min3A_225 = arith.constant dense<0x7F800000> : vector<1024xf32>
      %reduce_min3A_226 = vector.multi_reduction <minimumf>, %select_n3A_224, %reduce_min3A_225 [1] : vector<1024x1024xf32> to vector<1024xf32>
      %broadcast_in_dim3A_227 = vector.shape_cast %reduce_min3A_226 : vector<1024xf32> to vector<1024x1xf32>
      %eq3A_228 = vector.broadcast %broadcast_in_dim3A_227 : vector<1024x1xf32> to vector<1024x1024xf32>
      %eq3A_229 = arith.cmpf oeq, %select_n3A_224, %eq3A_228 : vector<1024x1024xf32>
      %jit3A_230 = arith.constant 2147483647 : i32
      %broadcast_in_dim3A_231 = vector.broadcast %jit3A_230 : i32 to vector<1024x1024xi32>
      %select_n3A_232 = arith.select %eq3A_229, %broadcast_in_dim3A_24, %broadcast_in_dim3A_231 : vector<1024x1024xi1>, vector<1024x1024xi32>
      %reduce_min3A_233 = arith.constant dense<2147483647> : vector<1024xi32>
      %reduce_min3A_234 = vector.multi_reduction <minsi>, %select_n3A_232, %reduce_min3A_233 [1] : vector<1024x1024xi32> to vector<1024xi32>
      %broadcast_in_dim3A_235 = vector.shape_cast %reduce_min3A_234 : vector<1024xi32> to vector<1024x1xi32>
      %eq3A_236 = vector.broadcast %broadcast_in_dim3A_235 : vector<1024x1xi32> to vector<1024x1024xi32>
      %eq3A_237 = arith.cmpi eq, %broadcast_in_dim3A_24, %eq3A_236 : vector<1024x1024xi32>
      %and3A_238 = arith.andi %eq3A_229, %eq3A_237 : vector<1024x1024xi1>
      %jit3A_239 = arith.constant 0x7F800000 : f32
      %broadcast_in_dim3A_240 = vector.broadcast %jit3A_239 : f32 to vector<1024x1024xf32>
      %select_n3A_241 = arith.select %and3A_238, %broadcast_in_dim3A_240, %select_n3A_224 : vector<1024x1024xi1>, vector<1024x1024xf32>
      %reduce_min3A_242 = arith.constant dense<0x7F800000> : vector<1024xf32>
      %reduce_min3A_243 = vector.multi_reduction <minimumf>, %select_n3A_241, %reduce_min3A_242 [1] : vector<1024x1024xf32> to vector<1024xf32>
      %broadcast_in_dim3A_244 = vector.shape_cast %reduce_min3A_243 : vector<1024xf32> to vector<1024x1xf32>
      %eq3A_245 = vector.broadcast %broadcast_in_dim3A_244 : vector<1024x1xf32> to vector<1024x1024xf32>
      %eq3A_246 = arith.cmpf oeq, %select_n3A_241, %eq3A_245 : vector<1024x1024xf32>
      %jit3A_247 = arith.constant 2147483647 : i32
      %broadcast_in_dim3A_248 = vector.broadcast %jit3A_247 : i32 to vector<1024x1024xi32>
      %select_n3A_249 = arith.select %eq3A_246, %broadcast_in_dim3A_24, %broadcast_in_dim3A_248 : vector<1024x1024xi1>, vector<1024x1024xi32>
      %reduce_min3A_250 = arith.constant dense<2147483647> : vector<1024xi32>
      %reduce_min3A_251 = vector.multi_reduction <minsi>, %select_n3A_249, %reduce_min3A_250 [1] : vector<1024x1024xi32> to vector<1024xi32>
      %broadcast_in_dim3A_252 = vector.shape_cast %reduce_min3A_251 : vector<1024xi32> to vector<1024x1xi32>
      %eq3A_253 = vector.broadcast %broadcast_in_dim3A_252 : vector<1024x1xi32> to vector<1024x1024xi32>
      %eq3A_254 = arith.cmpi eq, %broadcast_in_dim3A_24, %eq3A_253 : vector<1024x1024xi32>
      %and3A_255 = arith.andi %eq3A_246, %eq3A_254 : vector<1024x1024xi1>
      %jit3A_256 = arith.constant 0x7F800000 : f32
      %broadcast_in_dim3A_257 = vector.broadcast %jit3A_256 : f32 to vector<1024x1024xf32>
      %select_n3A_258 = arith.select %and3A_255, %broadcast_in_dim3A_257, %select_n3A_241 : vector<1024x1024xi1>, vector<1024x1024xf32>
      %reduce_min3A_259 = arith.constant dense<0x7F800000> : vector<1024xf32>
      %reduce_min3A_260 = vector.multi_reduction <minimumf>, %select_n3A_258, %reduce_min3A_259 [1] : vector<1024x1024xf32> to vector<1024xf32>
      %broadcast_in_dim3A_261 = vector.shape_cast %reduce_min3A_260 : vector<1024xf32> to vector<1024x1xf32>
      %eq3A_262 = vector.broadcast %broadcast_in_dim3A_261 : vector<1024x1xf32> to vector<1024x1024xf32>
      %eq3A_263 = arith.cmpf oeq, %select_n3A_258, %eq3A_262 : vector<1024x1024xf32>
      %jit3A_264 = arith.constant 2147483647 : i32
      %broadcast_in_dim3A_265 = vector.broadcast %jit3A_264 : i32 to vector<1024x1024xi32>
      %select_n3A_266 = arith.select %eq3A_263, %broadcast_in_dim3A_24, %broadcast_in_dim3A_265 : vector<1024x1024xi1>, vector<1024x1024xi32>
      %reduce_min3A_267 = arith.constant dense<2147483647> : vector<1024xi32>
      %reduce_min3A_268 = vector.multi_reduction <minsi>, %select_n3A_266, %reduce_min3A_267 [1] : vector<1024x1024xi32> to vector<1024xi32>
      %broadcast_in_dim3A_269 = vector.shape_cast %reduce_min3A_268 : vector<1024xi32> to vector<1024x1xi32>
      %eq3A_270 = vector.broadcast %broadcast_in_dim3A_269 : vector<1024x1xi32> to vector<1024x1024xi32>
      %eq3A_271 = arith.cmpi eq, %broadcast_in_dim3A_24, %eq3A_270 : vector<1024x1024xi32>
      %and3A_272 = arith.andi %eq3A_263, %eq3A_271 : vector<1024x1024xi1>
      %jit3A_273 = arith.constant 0x7F800000 : f32
      %broadcast_in_dim3A_274 = vector.broadcast %jit3A_273 : f32 to vector<1024x1024xf32>
      %select_n3A_275 = arith.select %and3A_272, %broadcast_in_dim3A_274, %select_n3A_258 : vector<1024x1024xi1>, vector<1024x1024xf32>
      %reduce_min3A_276 = arith.constant dense<0x7F800000> : vector<1024xf32>
      %reduce_min3A_277 = vector.multi_reduction <minimumf>, %select_n3A_275, %reduce_min3A_276 [1] : vector<1024x1024xf32> to vector<1024xf32>
      %broadcast_in_dim3A_278 = vector.shape_cast %reduce_min3A_277 : vector<1024xf32> to vector<1024x1xf32>
      %eq3A_279 = vector.broadcast %broadcast_in_dim3A_278 : vector<1024x1xf32> to vector<1024x1024xf32>
      %eq3A_280 = arith.cmpf oeq, %select_n3A_275, %eq3A_279 : vector<1024x1024xf32>
      %jit3A_281 = arith.constant 2147483647 : i32
      %broadcast_in_dim3A_282 = vector.broadcast %jit3A_281 : i32 to vector<1024x1024xi32>
      %select_n3A_283 = arith.select %eq3A_280, %broadcast_in_dim3A_24, %broadcast_in_dim3A_282 : vector<1024x1024xi1>, vector<1024x1024xi32>
      %reduce_min3A_284 = arith.constant dense<2147483647> : vector<1024xi32>
      %reduce_min3A_285 = vector.multi_reduction <minsi>, %select_n3A_283, %reduce_min3A_284 [1] : vector<1024x1024xi32> to vector<1024xi32>
      %broadcast_in_dim3A_286 = vector.shape_cast %reduce_min3A_285 : vector<1024xi32> to vector<1024x1xi32>
      %eq3A_287 = vector.broadcast %broadcast_in_dim3A_286 : vector<1024x1xi32> to vector<1024x1024xi32>
      %eq3A_288 = arith.cmpi eq, %broadcast_in_dim3A_24, %eq3A_287 : vector<1024x1024xi32>
      %and3A_289 = arith.andi %eq3A_280, %eq3A_288 : vector<1024x1024xi1>
      %jit3A_290 = arith.constant 0x7F800000 : f32
      %broadcast_in_dim3A_291 = vector.broadcast %jit3A_290 : f32 to vector<1024x1024xf32>
      %select_n3A_292 = arith.select %and3A_289, %broadcast_in_dim3A_291, %select_n3A_275 : vector<1024x1024xi1>, vector<1024x1024xf32>
      %reduce_min3A_293 = arith.constant dense<0x7F800000> : vector<1024xf32>
      %reduce_min3A_294 = vector.multi_reduction <minimumf>, %select_n3A_292, %reduce_min3A_293 [1] : vector<1024x1024xf32> to vector<1024xf32>
      %broadcast_in_dim3A_295 = vector.shape_cast %reduce_min3A_294 : vector<1024xf32> to vector<1024x1xf32>
      %eq3A_296 = vector.broadcast %broadcast_in_dim3A_295 : vector<1024x1xf32> to vector<1024x1024xf32>
      %eq3A_297 = arith.cmpf oeq, %select_n3A_292, %eq3A_296 : vector<1024x1024xf32>
      %jit3A_298 = arith.constant 2147483647 : i32
      %broadcast_in_dim3A_299 = vector.broadcast %jit3A_298 : i32 to vector<1024x1024xi32>
      %select_n3A_300 = arith.select %eq3A_297, %broadcast_in_dim3A_24, %broadcast_in_dim3A_299 : vector<1024x1024xi1>, vector<1024x1024xi32>
      %reduce_min3A_301 = arith.constant dense<2147483647> : vector<1024xi32>
      %reduce_min3A_302 = vector.multi_reduction <minsi>, %select_n3A_300, %reduce_min3A_301 [1] : vector<1024x1024xi32> to vector<1024xi32>
      %broadcast_in_dim3A_303 = vector.shape_cast %reduce_min3A_302 : vector<1024xi32> to vector<1024x1xi32>
      %concatenate3A = tpu.concatenate %broadcast_in_dim3A_41, %broadcast_in_dim3A_57, %broadcast_in_dim3A_74, %broadcast_in_dim3A_91, %broadcast_in_dim3A_108, %broadcast_in_dim3A_125, %broadcast_in_dim3A_142, %broadcast_in_dim3A_159, %broadcast_in_dim3A_176, %broadcast_in_dim3A_193, %broadcast_in_dim3A_210, %broadcast_in_dim3A_227, %broadcast_in_dim3A_244, %broadcast_in_dim3A_261, %broadcast_in_dim3A_278, %broadcast_in_dim3A_295, %broadcast_in_dim3A_26 in 1 : vector<1024x1xf32>, vector<1024x1xf32>, vector<1024x1xf32>, vector<1024x1xf32>, vector<1024x1xf32>, vector<1024x1xf32>, vector<1024x1xf32>, vector<1024x1xf32>, vector<1024x1xf32>, vector<1024x1xf32>, vector<1024x1xf32>, vector<1024x1xf32>, vector<1024x1xf32>, vector<1024x1xf32>, vector<1024x1xf32>, vector<1024x1xf32>, vector<1024x112xf32> -> vector<1024x128xf32>
      %swap3A = arith.constant 0 : index
      %swap3A_304 = arith.constant 0 : index
      %swap3A_305 = vector.load %arg5[%swap3A, %swap3A_304] : memref<1024x128xf32, #tpu.memory_space<vmem>>, vector<1024x128xf32>
      tpu.vector_store %arg5[%swap3A, %swap3A_304], %concatenate3A {strides = array<i32>} : memref<1024x128xf32, #tpu.memory_space<vmem>>, vector<1024x128xf32>,
      %concatenate3A_306 = tpu.concatenate %broadcast_in_dim3A_49, %broadcast_in_dim3A_65, %broadcast_in_dim3A_82, %broadcast_in_dim3A_99, %broadcast_in_dim3A_116, %broadcast_in_dim3A_133, %broadcast_in_dim3A_150, %broadcast_in_dim3A_167, %broadcast_in_dim3A_184, %broadcast_in_dim3A_201, %broadcast_in_dim3A_218, %broadcast_in_dim3A_235, %broadcast_in_dim3A_252, %broadcast_in_dim3A_269, %broadcast_in_dim3A_286, %broadcast_in_dim3A_303, %broadcast_in_dim3A_28 in 1 : vector<1024x1xi32>, vector<1024x1xi32>, vector<1024x1xi32>, vector<1024x1xi32>, vector<1024x1xi32>, vector<1024x1xi32>, vector<1024x1xi32>, vector<1024x1xi32>, vector<1024x1xi32>, vector<1024x1xi32>, vector<1024x1xi32>, vector<1024x1xi32>, vector<1024x1xi32>, vector<1024x1xi32>, vector<1024x1xi32>, vector<1024x1xi32>, vector<1024x112xi32> -> vector<1024x128xi32>
      %swap3A_307 = arith.constant 0 : index
      %swap3A_308 = arith.constant 0 : index
      %swap3A_309 = vector.load %arg4[%swap3A_307, %swap3A_308] : memref<1024x128xi32, #tpu.memory_space<vmem>>, vector<1024x128xi32>
      tpu.vector_store %arg4[%swap3A_307, %swap3A_308], %concatenate3A_306 {strides = array<i32>} : memref<1024x128xi32, #tpu.memory_space<vmem>>, vector<1024x128xi32>,
    } else {
    }
    %gt3A = arith.constant 0 : i32
    %gt3A_31 = arith.cmpi sgt, %arg0, %gt3A : i32
    %convert_element_type3A_32 = arith.extui %gt3A_31 : i1 to i32
    %cond3A_33 = arith.constant 0 : i32
    %cond3A_34 = arith.cmpi ne, %convert_element_type3A_32, %cond3A_33 : i32
    scf.if %cond3A_34 {
      %get3A_40 = arith.constant 0 : index
      %get3A_41 = arith.constant 0 : index
      %get3A_42 = vector.load %arg5[%get3A_40, %get3A_41] : memref<1024x128xf32, #tpu.memory_space<vmem>>, vector<1024x16xf32>
      %get3A_43 = arith.constant 0 : index
      %get3A_44 = arith.constant 0 : index
      %get3A_45 = vector.load %arg4[%get3A_43, %get3A_44] : memref<1024x128xi32, #tpu.memory_space<vmem>>, vector<1024x16xi32>
      %slice3A = vector.extract_strided_slice %get3A_42 {offsets = [0, 15], sizes = [1024, 1], strides = [1, 1]} : vector<1024x16xf32> to vector<1024x1xf32>
      %lt3A_46 = vector.broadcast %slice3A : vector<1024x1xf32> to vector<1024x1024xf32>
      %lt3A_47 = arith.cmpf olt, %sub3A, %lt3A_46 : vector<1024x1024xf32>
      %jit3A_48 = arith.constant 0x7F800000 : f32
      %broadcast_in_dim3A_49 = vector.broadcast %jit3A_48 : f32 to vector<1024x1024xf32>
      %select_n3A_50 = arith.select %lt3A_47, %sub3A, %broadcast_in_dim3A_49 : vector<1024x1024xi1>, vector<1024x1024xf32>
      %swap3A = arith.constant 0 : index
      %swap3A_51 = arith.constant 0 : index
      %swap3A_52 = vector.load %arg6[%swap3A, %swap3A_51] : memref<1024x1024xf32, #tpu.memory_space<vmem>>, vector<1024x1024xf32>
      tpu.vector_store %arg6[%swap3A, %swap3A_51], %select_n3A_50 {strides = array<i32>} : memref<1024x1024xf32, #tpu.memory_space<vmem>>, vector<1024x1024xf32>,
      %convert_element_type3A_53 = arith.extui %lt3A_47 : vector<1024x1024xi1> to vector<1024x1024xi32>
      %reduce_sum3A_54 = arith.constant dense<0> : vector<1024xi32>
      %reduce_sum3A_55 = vector.multi_reduction <add>, %convert_element_type3A_53, %reduce_sum3A_54 [1] : vector<1024x1024xi32> to vector<1024xi32>
      %reduce_max3A = vector.shape_cast %reduce_sum3A_55 : vector<1024xi32> to vector<1x1024xi32>
      %reduce_max3A_56 = arith.constant dense<-2147483648> : vector<1xi32>
      %reduce_max3A_57 = vector.multi_reduction <maxsi>, %reduce_max3A, %reduce_max3A_56 [1] : vector<1x1024xi32> to vector<1xi32>
      %reduce_max3A_58 = vector.shape_cast %reduce_max3A_57 : vector<1xi32> to vector<1x1xi32>
      %reduce_max3A_59 = vector.extract %reduce_max3A_58[0, 0] : i32 from vector<1x1xi32>
      %iota3A_60 = tpu.iota {dimensions = array<i32: 1>} : vector<1024x16xi32>
      %while3A = arith.constant 0 : i32
      %while3A_61 = arith.subi %reduce_max3A_59, %while3A : i32
      %while3A_62 = arith.addi %while3A, %while3A_61 : i32
      %while3A_63 = arith.constant 1 : i32
      %while3A_64 = arith.divsi %while3A_61, %while3A_63 : i32
      %while3A_65 = arith.muli %while3A_64, %while3A_63 : i32
      %while3A_66 = arith.addi %while3A, %while3A_65 : i32
      %while3A_67 = arith.constant 1 : i32
      %while3A_68:2 = scf.for %while3A_78 = %while3A to %while3A_66 step %while3A_67 iter_args(%while3A_79 = %get3A_42, %while3A_80 = %get3A_45) -> (vector<1024x16xf32>, vector<1024x16xi32>)  : i32 {
        %get3A_81 = arith.constant 0 : index
        %get3A_82 = arith.constant 0 : index
        %get3A_83 = vector.load %arg6[%get3A_81, %get3A_82] : memref<1024x1024xf32, #tpu.memory_space<vmem>>, vector<1024x1024xf32>
        %reduce_min3A = arith.constant dense<0x7F800000> : vector<1024xf32>
        %reduce_min3A_84 = vector.multi_reduction <minimumf>, %get3A_83, %reduce_min3A [1] : vector<1024x1024xf32> to vector<1024xf32>
        %broadcast_in_dim3A_85 = vector.shape_cast %reduce_min3A_84 : vector<1024xf32> to vector<1024x1xf32>
        %eq3A_86 = vector.broadcast %broadcast_in_dim3A_85 : vector<1024x1xf32> to vector<1024x1024xf32>
        %eq3A_87 = arith.cmpf oeq, %get3A_83, %eq3A_86 : vector<1024x1024xf32>
        %jit3A_88 = arith.constant 2147483647 : i32
        %broadcast_in_dim3A_89 = vector.broadcast %jit3A_88 : i32 to vector<1024x1024xi32>
        %select_n3A_90 = arith.select %eq3A_87, %broadcast_in_dim3A_24, %broadcast_in_dim3A_89 : vector<1024x1024xi1>, vector<1024x1024xi32>
        %reduce_min3A_91 = arith.constant dense<2147483647> : vector<1024xi32>
        %reduce_min3A_92 = vector.multi_reduction <minsi>, %select_n3A_90, %reduce_min3A_91 [1] : vector<1024x1024xi32> to vector<1024xi32>
        %broadcast_in_dim3A_93 = vector.shape_cast %reduce_min3A_92 : vector<1024xi32> to vector<1024x1xi32>
        %eq3A_94 = vector.broadcast %broadcast_in_dim3A_93 : vector<1024x1xi32> to vector<1024x1024xi32>
        %eq3A_95 = arith.cmpi eq, %broadcast_in_dim3A_24, %eq3A_94 : vector<1024x1024xi32>
        %and3A = arith.andi %eq3A_87, %eq3A_95 : vector<1024x1024xi1>
        %jit3A_96 = arith.constant 0x7F800000 : f32
        %broadcast_in_dim3A_97 = vector.broadcast %jit3A_96 : f32 to vector<1024x1024xf32>
        %select_n3A_98 = arith.select %and3A, %broadcast_in_dim3A_97, %get3A_83 : vector<1024x1024xi1>, vector<1024x1024xf32>
        %swap3A_99 = arith.constant 0 : index
        %swap3A_100 = arith.constant 0 : index
        %swap3A_101 = vector.load %arg6[%swap3A_99, %swap3A_100] : memref<1024x1024xf32, #tpu.memory_space<vmem>>, vector<1024x1024xf32>
        tpu.vector_store %arg6[%swap3A_99, %swap3A_100], %select_n3A_98 {strides = array<i32>} : memref<1024x1024xf32, #tpu.memory_space<vmem>>, vector<1024x1024xf32>,
        %lt3A_102 = vector.broadcast %broadcast_in_dim3A_85 : vector<1024x1xf32> to vector<1024x16xf32>
        %lt3A_103 = arith.cmpf olt, %while3A_79, %lt3A_102 : vector<1024x16xf32>
        %eq3A_104 = vector.broadcast %broadcast_in_dim3A_85 : vector<1024x1xf32> to vector<1024x16xf32>
        %eq3A_105 = arith.cmpf oeq, %while3A_79, %eq3A_104 : vector<1024x16xf32>
        %lt3A_106 = vector.broadcast %broadcast_in_dim3A_93 : vector<1024x1xi32> to vector<1024x16xi32>
        %lt3A_107 = arith.cmpi slt, %while3A_80, %lt3A_106 : vector<1024x16xi32>
        %and3A_108 = arith.andi %eq3A_105, %lt3A_107 : vector<1024x16xi1>
        %or3A = arith.ori %lt3A_103, %and3A_108 : vector<1024x16xi1>
        %convert_element_type3A_109 = arith.extui %or3A : vector<1024x16xi1> to vector<1024x16xi32>
        %reduce_sum3A_110 = arith.constant dense<0> : vector<1024xi32>
        %reduce_sum3A_111 = vector.multi_reduction <add>, %convert_element_type3A_109, %reduce_sum3A_110 [1] : vector<1024x16xi32> to vector<1024xi32>
        %broadcast_in_dim3A_112 = vector.shape_cast %reduce_sum3A_111 : vector<1024xi32> to vector<1024x1xi32>
        %slice3A_113 = vector.extract_strided_slice %while3A_79 {offsets = [0, 0], sizes = [1024, 1], strides = [1, 1]} : vector<1024x16xf32> to vector<1024x1xf32>
        %slice3A_114 = vector.extract_strided_slice %while3A_79 {offsets = [0, 0], sizes = [1024, 15], strides = [1, 1]} : vector<1024x16xf32> to vector<1024x15xf32>
        %concatenate3A_115 = tpu.concatenate %slice3A_113, %slice3A_114 in 1 : vector<1024x1xf32>, vector<1024x15xf32> -> vector<1024x16xf32>
        %slice3A_116 = vector.extract_strided_slice %while3A_80 {offsets = [0, 0], sizes = [1024, 1], strides = [1, 1]} : vector<1024x16xi32> to vector<1024x1xi32>
        %slice3A_117 = vector.extract_strided_slice %while3A_80 {offsets = [0, 0], sizes = [1024, 15], strides = [1, 1]} : vector<1024x16xi32> to vector<1024x15xi32>
        %concatenate3A_118 = tpu.concatenate %slice3A_116, %slice3A_117 in 1 : vector<1024x1xi32>, vector<1024x15xi32> -> vector<1024x16xi32>
        %lt3A_119 = vector.broadcast %broadcast_in_dim3A_112 : vector<1024x1xi32> to vector<1024x16xi32>
        %lt3A_120 = arith.cmpi slt, %iota3A_60, %lt3A_119 : vector<1024x16xi32>
        %eq3A_121 = vector.broadcast %broadcast_in_dim3A_112 : vector<1024x1xi32> to vector<1024x16xi32>
        %eq3A_122 = arith.cmpi eq, %iota3A_60, %eq3A_121 : vector<1024x16xi32>
        %broadcast_in_dim3A_123 = vector.shape_cast %broadcast_in_dim3A_85 : vector<1024x1xf32> to vector<1024x1xf32>
        %broadcast_in_dim3A_124 = vector.broadcast %broadcast_in_dim3A_123 : vector<1024x1xf32> to vector<1024x16xf32>
        %select_n3A_125 = arith.select %eq3A_122, %broadcast_in_dim3A_124, %concatenate3A_115 : vector<1024x16xi1>, vector<1024x16xf32>
        %select_n3A_126 = arith.select %lt3A_120, %while3A_79, %select_n3A_125 : vector<1024x16xi1>, vector<1024x16xf32>
        %lt3A_127 = vector.broadcast %broadcast_in_dim3A_112 : vector<1024x1xi32> to vector<1024x16xi32>
        %lt3A_128 = arith.cmpi slt, %iota3A_60, %lt3A_127 : vector<1024x16xi32>
        %eq3A_129 = vector.broadcast %broadcast_in_dim3A_112 : vector<1024x1xi32> to vector<1024x16xi32>
        %eq3A_130 = arith.cmpi eq, %iota3A_60, %eq3A_129 : vector<1024x16xi32>
        %broadcast_in_dim3A_131 = vector.shape_cast %broadcast_in_dim3A_93 : vector<1024x1xi32> to vector<1024x1xi32>
        %broadcast_in_dim3A_132 = vector.broadcast %broadcast_in_dim3A_131 : vector<1024x1xi32> to vector<1024x16xi32>
        %select_n3A_133 = arith.select %eq3A_130, %broadcast_in_dim3A_132, %concatenate3A_118 : vector<1024x16xi1>, vector<1024x16xi32>
        %select_n3A_134 = arith.select %lt3A_128, %while3A_80, %select_n3A_133 : vector<1024x16xi1>, vector<1024x16xi32>
        scf.yield %select_n3A_126, %select_n3A_134 : vector<1024x16xf32>, vector<1024x16xi32>
      }
      %while3A_69 = arith.constant 1 : i32
      %while3A_70:2 = scf.for %while3A_78 = %while3A_66 to %while3A_62 step %while3A_69 iter_args(%while3A_79 = %while3A_68#0, %while3A_80 = %while3A_68#1) -> (vector<1024x16xf32>, vector<1024x16xi32>)  : i32 {
        %get3A_81 = arith.constant 0 : index
        %get3A_82 = arith.constant 0 : index
        %get3A_83 = vector.load %arg6[%get3A_81, %get3A_82] : memref<1024x1024xf32, #tpu.memory_space<vmem>>, vector<1024x1024xf32>
        %reduce_min3A = arith.constant dense<0x7F800000> : vector<1024xf32>
        %reduce_min3A_84 = vector.multi_reduction <minimumf>, %get3A_83, %reduce_min3A [1] : vector<1024x1024xf32> to vector<1024xf32>
        %broadcast_in_dim3A_85 = vector.shape_cast %reduce_min3A_84 : vector<1024xf32> to vector<1024x1xf32>
        %eq3A_86 = vector.broadcast %broadcast_in_dim3A_85 : vector<1024x1xf32> to vector<1024x1024xf32>
        %eq3A_87 = arith.cmpf oeq, %get3A_83, %eq3A_86 : vector<1024x1024xf32>
        %jit3A_88 = arith.constant 2147483647 : i32
        %broadcast_in_dim3A_89 = vector.broadcast %jit3A_88 : i32 to vector<1024x1024xi32>
        %select_n3A_90 = arith.select %eq3A_87, %broadcast_in_dim3A_24, %broadcast_in_dim3A_89 : vector<1024x1024xi1>, vector<1024x1024xi32>
        %reduce_min3A_91 = arith.constant dense<2147483647> : vector<1024xi32>
        %reduce_min3A_92 = vector.multi_reduction <minsi>, %select_n3A_90, %reduce_min3A_91 [1] : vector<1024x1024xi32> to vector<1024xi32>
        %broadcast_in_dim3A_93 = vector.shape_cast %reduce_min3A_92 : vector<1024xi32> to vector<1024x1xi32>
        %eq3A_94 = vector.broadcast %broadcast_in_dim3A_93 : vector<1024x1xi32> to vector<1024x1024xi32>
        %eq3A_95 = arith.cmpi eq, %broadcast_in_dim3A_24, %eq3A_94 : vector<1024x1024xi32>
        %and3A = arith.andi %eq3A_87, %eq3A_95 : vector<1024x1024xi1>
        %jit3A_96 = arith.constant 0x7F800000 : f32
        %broadcast_in_dim3A_97 = vector.broadcast %jit3A_96 : f32 to vector<1024x1024xf32>
        %select_n3A_98 = arith.select %and3A, %broadcast_in_dim3A_97, %get3A_83 : vector<1024x1024xi1>, vector<1024x1024xf32>
        %swap3A_99 = arith.constant 0 : index
        %swap3A_100 = arith.constant 0 : index
        %swap3A_101 = vector.load %arg6[%swap3A_99, %swap3A_100] : memref<1024x1024xf32, #tpu.memory_space<vmem>>, vector<1024x1024xf32>
        tpu.vector_store %arg6[%swap3A_99, %swap3A_100], %select_n3A_98 {strides = array<i32>} : memref<1024x1024xf32, #tpu.memory_space<vmem>>, vector<1024x1024xf32>,
        %lt3A_102 = vector.broadcast %broadcast_in_dim3A_85 : vector<1024x1xf32> to vector<1024x16xf32>
        %lt3A_103 = arith.cmpf olt, %while3A_79, %lt3A_102 : vector<1024x16xf32>
        %eq3A_104 = vector.broadcast %broadcast_in_dim3A_85 : vector<1024x1xf32> to vector<1024x16xf32>
        %eq3A_105 = arith.cmpf oeq, %while3A_79, %eq3A_104 : vector<1024x16xf32>
        %lt3A_106 = vector.broadcast %broadcast_in_dim3A_93 : vector<1024x1xi32> to vector<1024x16xi32>
        %lt3A_107 = arith.cmpi slt, %while3A_80, %lt3A_106 : vector<1024x16xi32>
        %and3A_108 = arith.andi %eq3A_105, %lt3A_107 : vector<1024x16xi1>
        %or3A = arith.ori %lt3A_103, %and3A_108 : vector<1024x16xi1>
        %convert_element_type3A_109 = arith.extui %or3A : vector<1024x16xi1> to vector<1024x16xi32>
        %reduce_sum3A_110 = arith.constant dense<0> : vector<1024xi32>
        %reduce_sum3A_111 = vector.multi_reduction <add>, %convert_element_type3A_109, %reduce_sum3A_110 [1] : vector<1024x16xi32> to vector<1024xi32>
        %broadcast_in_dim3A_112 = vector.shape_cast %reduce_sum3A_111 : vector<1024xi32> to vector<1024x1xi32>
        %slice3A_113 = vector.extract_strided_slice %while3A_79 {offsets = [0, 0], sizes = [1024, 1], strides = [1, 1]} : vector<1024x16xf32> to vector<1024x1xf32>
        %slice3A_114 = vector.extract_strided_slice %while3A_79 {offsets = [0, 0], sizes = [1024, 15], strides = [1, 1]} : vector<1024x16xf32> to vector<1024x15xf32>
        %concatenate3A_115 = tpu.concatenate %slice3A_113, %slice3A_114 in 1 : vector<1024x1xf32>, vector<1024x15xf32> -> vector<1024x16xf32>
        %slice3A_116 = vector.extract_strided_slice %while3A_80 {offsets = [0, 0], sizes = [1024, 1], strides = [1, 1]} : vector<1024x16xi32> to vector<1024x1xi32>
        %slice3A_117 = vector.extract_strided_slice %while3A_80 {offsets = [0, 0], sizes = [1024, 15], strides = [1, 1]} : vector<1024x16xi32> to vector<1024x15xi32>
        %concatenate3A_118 = tpu.concatenate %slice3A_116, %slice3A_117 in 1 : vector<1024x1xi32>, vector<1024x15xi32> -> vector<1024x16xi32>
        %lt3A_119 = vector.broadcast %broadcast_in_dim3A_112 : vector<1024x1xi32> to vector<1024x16xi32>
        %lt3A_120 = arith.cmpi slt, %iota3A_60, %lt3A_119 : vector<1024x16xi32>
        %eq3A_121 = vector.broadcast %broadcast_in_dim3A_112 : vector<1024x1xi32> to vector<1024x16xi32>
        %eq3A_122 = arith.cmpi eq, %iota3A_60, %eq3A_121 : vector<1024x16xi32>
        %broadcast_in_dim3A_123 = vector.shape_cast %broadcast_in_dim3A_85 : vector<1024x1xf32> to vector<1024x1xf32>
        %broadcast_in_dim3A_124 = vector.broadcast %broadcast_in_dim3A_123 : vector<1024x1xf32> to vector<1024x16xf32>
        %select_n3A_125 = arith.select %eq3A_122, %broadcast_in_dim3A_124, %concatenate3A_115 : vector<1024x16xi1>, vector<1024x16xf32>
        %select_n3A_126 = arith.select %lt3A_120, %while3A_79, %select_n3A_125 : vector<1024x16xi1>, vector<1024x16xf32>
        %lt3A_127 = vector.broadcast %broadcast_in_dim3A_112 : vector<1024x1xi32> to vector<1024x16xi32>
        %lt3A_128 = arith.cmpi slt, %iota3A_60, %lt3A_127 : vector<1024x16xi32>
        %eq3A_129 = vector.broadcast %broadcast_in_dim3A_112 : vector<1024x1xi32> to vector<1024x16xi32>
        %eq3A_130 = arith.cmpi eq, %iota3A_60, %eq3A_129 : vector<1024x16xi32>
        %broadcast_in_dim3A_131 = vector.shape_cast %broadcast_in_dim3A_93 : vector<1024x1xi32> to vector<1024x1xi32>
        %broadcast_in_dim3A_132 = vector.broadcast %broadcast_in_dim3A_131 : vector<1024x1xi32> to vector<1024x16xi32>
        %select_n3A_133 = arith.select %eq3A_130, %broadcast_in_dim3A_132, %concatenate3A_118 : vector<1024x16xi1>, vector<1024x16xi32>
        %select_n3A_134 = arith.select %lt3A_128, %while3A_80, %select_n3A_133 : vector<1024x16xi1>, vector<1024x16xi32>
        scf.yield %select_n3A_126, %select_n3A_134 : vector<1024x16xf32>, vector<1024x16xi32>
      }
      %concatenate3A = tpu.concatenate %while3A_70#0, %broadcast_in_dim3A_26 in 1 : vector<1024x16xf32>, vector<1024x112xf32> -> vector<1024x128xf32>
      %swap3A_71 = arith.constant 0 : index
      %swap3A_72 = arith.constant 0 : index
      %swap3A_73 = vector.load %arg5[%swap3A_71, %swap3A_72] : memref<1024x128xf32, #tpu.memory_space<vmem>>, vector<1024x128xf32>
      tpu.vector_store %arg5[%swap3A_71, %swap3A_72], %concatenate3A {strides = array<i32>} : memref<1024x128xf32, #tpu.memory_space<vmem>>, vector<1024x128xf32>,
      %concatenate3A_74 = tpu.concatenate %while3A_70#1, %broadcast_in_dim3A_28 in 1 : vector<1024x16xi32>, vector<1024x112xi32> -> vector<1024x128xi32>
      %swap3A_75 = arith.constant 0 : index
      %swap3A_76 = arith.constant 0 : index
      %swap3A_77 = vector.load %arg4[%swap3A_75, %swap3A_76] : memref<1024x128xi32, #tpu.memory_space<vmem>>, vector<1024x128xi32>
      tpu.vector_store %arg4[%swap3A_75, %swap3A_76], %concatenate3A_74 {strides = array<i32>} : memref<1024x128xi32, #tpu.memory_space<vmem>>, vector<1024x128xi32>,
    } else {
    }
    %eq3A_35 = arith.constant 97 : i32
    %eq3A_36 = arith.cmpi eq, %arg0, %eq3A_35 : i32
    %convert_element_type3A_37 = arith.extui %eq3A_36 : i1 to i32
    %cond3A_38 = arith.constant 0 : i32
    %cond3A_39 = arith.cmpi ne, %convert_element_type3A_37, %cond3A_38 : i32
    scf.if %cond3A_39 {
      %get3A_40 = arith.constant 0 : index
      %get3A_41 = arith.constant 0 : index
      %get3A_42 = vector.load %arg5[%get3A_40, %get3A_41] : memref<1024x128xf32, #tpu.memory_space<vmem>>, vector<1024x16xf32>
      %mul3A_43 = arith.constant -5.000000e-01 : f32
      %mul3A_44 = vector.broadcast %mul3A_43 : f32 to vector<1024x16xf32>
      %mul3A_45 = arith.mulf %mul3A_44, %get3A_42 : vector<1024x16xf32>
      %exp3A = math.exp %mul3A_45 : vector<1024x16xf32>
      %iota3A_46 = tpu.iota {dimensions = array<i32: 1>} : vector<1024x256xi32>
      %jit3A_47 = arith.constant 16 : i32
      %div3A = vector.broadcast %jit3A_47 : i32 to vector<1024x256xi32>
      %div3A_48 = arith.divsi %iota3A_46, %div3A : vector<1024x256xi32>
      %sign3A = arith.constant 0 : i32
      %sign3A_49 = vector.broadcast %sign3A : i32 to vector<1024x256xi32>
      %sign3A_50 = arith.cmpi sgt, %iota3A_46, %sign3A_49 : vector<1024x256xi32>
      %sign3A_51 = arith.extui %sign3A_50 : vector<1024x256xi1> to vector<1024x256xi32>
      %sign3A_52 = arith.constant 0 : i32
      %sign3A_53 = vector.broadcast %sign3A_52 : i32 to vector<1024x256xi32>
      %sign3A_54 = arith.cmpi slt, %iota3A_46, %sign3A_53 : vector<1024x256xi32>
      %sign3A_55 = arith.extui %sign3A_54 : vector<1024x256xi1> to vector<1024x256xi32>
      %sign3A_56 = arith.subi %sign3A_51, %sign3A_55 : vector<1024x256xi32>
      %sign3A_57 = arith.constant 0 : i32
      %sign3A_58 = arith.cmpi sgt, %jit3A_47, %sign3A_57 : i32
      %sign3A_59 = arith.extui %sign3A_58 : i1 to i32
      %sign3A_60 = arith.constant 0 : i32
      %sign3A_61 = arith.cmpi slt, %jit3A_47, %sign3A_60 : i32
      %sign3A_62 = arith.extui %sign3A_61 : i1 to i32
      %sign3A_63 = arith.subi %sign3A_59, %sign3A_62 : i32
      %ne3A = vector.broadcast %sign3A_63 : i32 to vector<1024x256xi32>
      %ne3A_64 = arith.cmpi ne, %sign3A_56, %ne3A : vector<1024x256xi32>
      %rem3A = vector.broadcast %jit3A_47 : i32 to vector<1024x256xi32>
      %rem3A_65 = arith.remsi %iota3A_46, %rem3A : vector<1024x256xi32>
      %ne3A_66 = arith.constant 0 : i32
      %ne3A_67 = vector.broadcast %ne3A_66 : i32 to vector<1024x256xi32>
      %ne3A_68 = arith.cmpi ne, %rem3A_65, %ne3A_67 : vector<1024x256xi32>
      %and3A = arith.andi %ne3A_64, %ne3A_68 : vector<1024x256xi1>
      %sub3A_69 = arith.constant 1 : i32
      %sub3A_70 = vector.broadcast %sub3A_69 : i32 to vector<1024x256xi32>
      %sub3A_71 = arith.subi %div3A_48, %sub3A_70 : vector<1024x256xi32>
      %select_n3A_72 = arith.select %and3A, %sub3A_71, %div3A_48 : vector<1024x256xi1>, vector<1024x256xi32>
      %broadcast_in_dim3A_73 = arith.constant 0.000000e+00 : f32
      %broadcast_in_dim3A_74 = vector.broadcast %broadcast_in_dim3A_73 : f32 to vector<1024x256xf32>
      %eq3A_75 = arith.constant 0 : i32
      %eq3A_76 = vector.broadcast %eq3A_75 : i32 to vector<1024x256xi32>
      %eq3A_77 = arith.cmpi eq, %select_n3A_72, %eq3A_76 : vector<1024x256xi32>
      %slice3A = vector.extract_strided_slice %exp3A {offsets = [0, 0], sizes = [1024, 1], strides = [1, 1]} : vector<1024x16xf32> to vector<1024x1xf32>
      %jit3A_78 = arith.constant 0.000000e+00 : f32
      %broadcast_in_dim3A_79 = vector.shape_cast %slice3A : vector<1024x1xf32> to vector<1024x1xf32>
      %broadcast_in_dim3A_80 = vector.broadcast %broadcast_in_dim3A_79 : vector<1024x1xf32> to vector<1024x256xf32>
      %broadcast_in_dim3A_81 = vector.broadcast %jit3A_78 : f32 to vector<1024x256xf32>
      %select_n3A_82 = arith.select %eq3A_77, %broadcast_in_dim3A_80, %broadcast_in_dim3A_81 : vector<1024x256xi1>, vector<1024x256xf32>
      %add3A_83 = arith.addf %broadcast_in_dim3A_74, %select_n3A_82 : vector<1024x256xf32>
      %eq3A_84 = arith.constant 1 : i32
      %eq3A_85 = vector.broadcast %eq3A_84 : i32 to vector<1024x256xi32>
      %eq3A_86 = arith.cmpi eq, %select_n3A_72, %eq3A_85 : vector<1024x256xi32>
      %slice3A_87 = vector.extract_strided_slice %exp3A {offsets = [0, 1], sizes = [1024, 1], strides = [1, 1]} : vector<1024x16xf32> to vector<1024x1xf32>
      %jit3A_88 = arith.constant 0.000000e+00 : f32
      %broadcast_in_dim3A_89 = vector.shape_cast %slice3A_87 : vector<1024x1xf32> to vector<1024x1xf32>
      %broadcast_in_dim3A_90 = vector.broadcast %broadcast_in_dim3A_89 : vector<1024x1xf32> to vector<1024x256xf32>
      %broadcast_in_dim3A_91 = vector.broadcast %jit3A_88 : f32 to vector<1024x256xf32>
      %select_n3A_92 = arith.select %eq3A_86, %broadcast_in_dim3A_90, %broadcast_in_dim3A_91 : vector<1024x256xi1>, vector<1024x256xf32>
      %add3A_93 = arith.addf %add3A_83, %select_n3A_92 : vector<1024x256xf32>
      %eq3A_94 = arith.constant 2 : i32
      %eq3A_95 = vector.broadcast %eq3A_94 : i32 to vector<1024x256xi32>
      %eq3A_96 = arith.cmpi eq, %select_n3A_72, %eq3A_95 : vector<1024x256xi32>
      %slice3A_97 = vector.extract_strided_slice %exp3A {offsets = [0, 2], sizes = [1024, 1], strides = [1, 1]} : vector<1024x16xf32> to vector<1024x1xf32>
      %jit3A_98 = arith.constant 0.000000e+00 : f32
      %broadcast_in_dim3A_99 = vector.shape_cast %slice3A_97 : vector<1024x1xf32> to vector<1024x1xf32>
      %broadcast_in_dim3A_100 = vector.broadcast %broadcast_in_dim3A_99 : vector<1024x1xf32> to vector<1024x256xf32>
      %broadcast_in_dim3A_101 = vector.broadcast %jit3A_98 : f32 to vector<1024x256xf32>
      %select_n3A_102 = arith.select %eq3A_96, %broadcast_in_dim3A_100, %broadcast_in_dim3A_101 : vector<1024x256xi1>, vector<1024x256xf32>
      %add3A_103 = arith.addf %add3A_93, %select_n3A_102 : vector<1024x256xf32>
      %eq3A_104 = arith.constant 3 : i32
      %eq3A_105 = vector.broadcast %eq3A_104 : i32 to vector<1024x256xi32>
      %eq3A_106 = arith.cmpi eq, %select_n3A_72, %eq3A_105 : vector<1024x256xi32>
      %slice3A_107 = vector.extract_strided_slice %exp3A {offsets = [0, 3], sizes = [1024, 1], strides = [1, 1]} : vector<1024x16xf32> to vector<1024x1xf32>
      %jit3A_108 = arith.constant 0.000000e+00 : f32
      %broadcast_in_dim3A_109 = vector.shape_cast %slice3A_107 : vector<1024x1xf32> to vector<1024x1xf32>
      %broadcast_in_dim3A_110 = vector.broadcast %broadcast_in_dim3A_109 : vector<1024x1xf32> to vector<1024x256xf32>
      %broadcast_in_dim3A_111 = vector.broadcast %jit3A_108 : f32 to vector<1024x256xf32>
      %select_n3A_112 = arith.select %eq3A_106, %broadcast_in_dim3A_110, %broadcast_in_dim3A_111 : vector<1024x256xi1>, vector<1024x256xf32>
      %add3A_113 = arith.addf %add3A_103, %select_n3A_112 : vector<1024x256xf32>
      %eq3A_114 = arith.constant 4 : i32
      %eq3A_115 = vector.broadcast %eq3A_114 : i32 to vector<1024x256xi32>
      %eq3A_116 = arith.cmpi eq, %select_n3A_72, %eq3A_115 : vector<1024x256xi32>
      %slice3A_117 = vector.extract_strided_slice %exp3A {offsets = [0, 4], sizes = [1024, 1], strides = [1, 1]} : vector<1024x16xf32> to vector<1024x1xf32>
      %jit3A_118 = arith.constant 0.000000e+00 : f32
      %broadcast_in_dim3A_119 = vector.shape_cast %slice3A_117 : vector<1024x1xf32> to vector<1024x1xf32>
      %broadcast_in_dim3A_120 = vector.broadcast %broadcast_in_dim3A_119 : vector<1024x1xf32> to vector<1024x256xf32>
      %broadcast_in_dim3A_121 = vector.broadcast %jit3A_118 : f32 to vector<1024x256xf32>
      %select_n3A_122 = arith.select %eq3A_116, %broadcast_in_dim3A_120, %broadcast_in_dim3A_121 : vector<1024x256xi1>, vector<1024x256xf32>
      %add3A_123 = arith.addf %add3A_113, %select_n3A_122 : vector<1024x256xf32>
      %eq3A_124 = arith.constant 5 : i32
      %eq3A_125 = vector.broadcast %eq3A_124 : i32 to vector<1024x256xi32>
      %eq3A_126 = arith.cmpi eq, %select_n3A_72, %eq3A_125 : vector<1024x256xi32>
      %slice3A_127 = vector.extract_strided_slice %exp3A {offsets = [0, 5], sizes = [1024, 1], strides = [1, 1]} : vector<1024x16xf32> to vector<1024x1xf32>
      %jit3A_128 = arith.constant 0.000000e+00 : f32
      %broadcast_in_dim3A_129 = vector.shape_cast %slice3A_127 : vector<1024x1xf32> to vector<1024x1xf32>
      %broadcast_in_dim3A_130 = vector.broadcast %broadcast_in_dim3A_129 : vector<1024x1xf32> to vector<1024x256xf32>
      %broadcast_in_dim3A_131 = vector.broadcast %jit3A_128 : f32 to vector<1024x256xf32>
      %select_n3A_132 = arith.select %eq3A_126, %broadcast_in_dim3A_130, %broadcast_in_dim3A_131 : vector<1024x256xi1>, vector<1024x256xf32>
      %add3A_133 = arith.addf %add3A_123, %select_n3A_132 : vector<1024x256xf32>
      %eq3A_134 = arith.constant 6 : i32
      %eq3A_135 = vector.broadcast %eq3A_134 : i32 to vector<1024x256xi32>
      %eq3A_136 = arith.cmpi eq, %select_n3A_72, %eq3A_135 : vector<1024x256xi32>
      %slice3A_137 = vector.extract_strided_slice %exp3A {offsets = [0, 6], sizes = [1024, 1], strides = [1, 1]} : vector<1024x16xf32> to vector<1024x1xf32>
      %jit3A_138 = arith.constant 0.000000e+00 : f32
      %broadcast_in_dim3A_139 = vector.shape_cast %slice3A_137 : vector<1024x1xf32> to vector<1024x1xf32>
      %broadcast_in_dim3A_140 = vector.broadcast %broadcast_in_dim3A_139 : vector<1024x1xf32> to vector<1024x256xf32>
      %broadcast_in_dim3A_141 = vector.broadcast %jit3A_138 : f32 to vector<1024x256xf32>
      %select_n3A_142 = arith.select %eq3A_136, %broadcast_in_dim3A_140, %broadcast_in_dim3A_141 : vector<1024x256xi1>, vector<1024x256xf32>
      %add3A_143 = arith.addf %add3A_133, %select_n3A_142 : vector<1024x256xf32>
      %eq3A_144 = arith.constant 7 : i32
      %eq3A_145 = vector.broadcast %eq3A_144 : i32 to vector<1024x256xi32>
      %eq3A_146 = arith.cmpi eq, %select_n3A_72, %eq3A_145 : vector<1024x256xi32>
      %slice3A_147 = vector.extract_strided_slice %exp3A {offsets = [0, 7], sizes = [1024, 1], strides = [1, 1]} : vector<1024x16xf32> to vector<1024x1xf32>
      %jit3A_148 = arith.constant 0.000000e+00 : f32
      %broadcast_in_dim3A_149 = vector.shape_cast %slice3A_147 : vector<1024x1xf32> to vector<1024x1xf32>
      %broadcast_in_dim3A_150 = vector.broadcast %broadcast_in_dim3A_149 : vector<1024x1xf32> to vector<1024x256xf32>
      %broadcast_in_dim3A_151 = vector.broadcast %jit3A_148 : f32 to vector<1024x256xf32>
      %select_n3A_152 = arith.select %eq3A_146, %broadcast_in_dim3A_150, %broadcast_in_dim3A_151 : vector<1024x256xi1>, vector<1024x256xf32>
      %add3A_153 = arith.addf %add3A_143, %select_n3A_152 : vector<1024x256xf32>
      %eq3A_154 = arith.constant 8 : i32
      %eq3A_155 = vector.broadcast %eq3A_154 : i32 to vector<1024x256xi32>
      %eq3A_156 = arith.cmpi eq, %select_n3A_72, %eq3A_155 : vector<1024x256xi32>
      %slice3A_157 = vector.extract_strided_slice %exp3A {offsets = [0, 8], sizes = [1024, 1], strides = [1, 1]} : vector<1024x16xf32> to vector<1024x1xf32>
      %jit3A_158 = arith.constant 0.000000e+00 : f32
      %broadcast_in_dim3A_159 = vector.shape_cast %slice3A_157 : vector<1024x1xf32> to vector<1024x1xf32>
      %broadcast_in_dim3A_160 = vector.broadcast %broadcast_in_dim3A_159 : vector<1024x1xf32> to vector<1024x256xf32>
      %broadcast_in_dim3A_161 = vector.broadcast %jit3A_158 : f32 to vector<1024x256xf32>
      %select_n3A_162 = arith.select %eq3A_156, %broadcast_in_dim3A_160, %broadcast_in_dim3A_161 : vector<1024x256xi1>, vector<1024x256xf32>
      %add3A_163 = arith.addf %add3A_153, %select_n3A_162 : vector<1024x256xf32>
      %eq3A_164 = arith.constant 9 : i32
      %eq3A_165 = vector.broadcast %eq3A_164 : i32 to vector<1024x256xi32>
      %eq3A_166 = arith.cmpi eq, %select_n3A_72, %eq3A_165 : vector<1024x256xi32>
      %slice3A_167 = vector.extract_strided_slice %exp3A {offsets = [0, 9], sizes = [1024, 1], strides = [1, 1]} : vector<1024x16xf32> to vector<1024x1xf32>
      %jit3A_168 = arith.constant 0.000000e+00 : f32
      %broadcast_in_dim3A_169 = vector.shape_cast %slice3A_167 : vector<1024x1xf32> to vector<1024x1xf32>
      %broadcast_in_dim3A_170 = vector.broadcast %broadcast_in_dim3A_169 : vector<1024x1xf32> to vector<1024x256xf32>
      %broadcast_in_dim3A_171 = vector.broadcast %jit3A_168 : f32 to vector<1024x256xf32>
      %select_n3A_172 = arith.select %eq3A_166, %broadcast_in_dim3A_170, %broadcast_in_dim3A_171 : vector<1024x256xi1>, vector<1024x256xf32>
      %add3A_173 = arith.addf %add3A_163, %select_n3A_172 : vector<1024x256xf32>
      %eq3A_174 = arith.constant 10 : i32
      %eq3A_175 = vector.broadcast %eq3A_174 : i32 to vector<1024x256xi32>
      %eq3A_176 = arith.cmpi eq, %select_n3A_72, %eq3A_175 : vector<1024x256xi32>
      %slice3A_177 = vector.extract_strided_slice %exp3A {offsets = [0, 10], sizes = [1024, 1], strides = [1, 1]} : vector<1024x16xf32> to vector<1024x1xf32>
      %jit3A_178 = arith.constant 0.000000e+00 : f32
      %broadcast_in_dim3A_179 = vector.shape_cast %slice3A_177 : vector<1024x1xf32> to vector<1024x1xf32>
      %broadcast_in_dim3A_180 = vector.broadcast %broadcast_in_dim3A_179 : vector<1024x1xf32> to vector<1024x256xf32>
      %broadcast_in_dim3A_181 = vector.broadcast %jit3A_178 : f32 to vector<1024x256xf32>
      %select_n3A_182 = arith.select %eq3A_176, %broadcast_in_dim3A_180, %broadcast_in_dim3A_181 : vector<1024x256xi1>, vector<1024x256xf32>
      %add3A_183 = arith.addf %add3A_173, %select_n3A_182 : vector<1024x256xf32>
      %eq3A_184 = arith.constant 11 : i32
      %eq3A_185 = vector.broadcast %eq3A_184 : i32 to vector<1024x256xi32>
      %eq3A_186 = arith.cmpi eq, %select_n3A_72, %eq3A_185 : vector<1024x256xi32>
      %slice3A_187 = vector.extract_strided_slice %exp3A {offsets = [0, 11], sizes = [1024, 1], strides = [1, 1]} : vector<1024x16xf32> to vector<1024x1xf32>
      %jit3A_188 = arith.constant 0.000000e+00 : f32
      %broadcast_in_dim3A_189 = vector.shape_cast %slice3A_187 : vector<1024x1xf32> to vector<1024x1xf32>
      %broadcast_in_dim3A_190 = vector.broadcast %broadcast_in_dim3A_189 : vector<1024x1xf32> to vector<1024x256xf32>
      %broadcast_in_dim3A_191 = vector.broadcast %jit3A_188 : f32 to vector<1024x256xf32>
      %select_n3A_192 = arith.select %eq3A_186, %broadcast_in_dim3A_190, %broadcast_in_dim3A_191 : vector<1024x256xi1>, vector<1024x256xf32>
      %add3A_193 = arith.addf %add3A_183, %select_n3A_192 : vector<1024x256xf32>
      %eq3A_194 = arith.constant 12 : i32
      %eq3A_195 = vector.broadcast %eq3A_194 : i32 to vector<1024x256xi32>
      %eq3A_196 = arith.cmpi eq, %select_n3A_72, %eq3A_195 : vector<1024x256xi32>
      %slice3A_197 = vector.extract_strided_slice %exp3A {offsets = [0, 12], sizes = [1024, 1], strides = [1, 1]} : vector<1024x16xf32> to vector<1024x1xf32>
      %jit3A_198 = arith.constant 0.000000e+00 : f32
      %broadcast_in_dim3A_199 = vector.shape_cast %slice3A_197 : vector<1024x1xf32> to vector<1024x1xf32>
      %broadcast_in_dim3A_200 = vector.broadcast %broadcast_in_dim3A_199 : vector<1024x1xf32> to vector<1024x256xf32>
      %broadcast_in_dim3A_201 = vector.broadcast %jit3A_198 : f32 to vector<1024x256xf32>
      %select_n3A_202 = arith.select %eq3A_196, %broadcast_in_dim3A_200, %broadcast_in_dim3A_201 : vector<1024x256xi1>, vector<1024x256xf32>
      %add3A_203 = arith.addf %add3A_193, %select_n3A_202 : vector<1024x256xf32>
      %eq3A_204 = arith.constant 13 : i32
      %eq3A_205 = vector.broadcast %eq3A_204 : i32 to vector<1024x256xi32>
      %eq3A_206 = arith.cmpi eq, %select_n3A_72, %eq3A_205 : vector<1024x256xi32>
      %slice3A_207 = vector.extract_strided_slice %exp3A {offsets = [0, 13], sizes = [1024, 1], strides = [1, 1]} : vector<1024x16xf32> to vector<1024x1xf32>
      %jit3A_208 = arith.constant 0.000000e+00 : f32
      %broadcast_in_dim3A_209 = vector.shape_cast %slice3A_207 : vector<1024x1xf32> to vector<1024x1xf32>
      %broadcast_in_dim3A_210 = vector.broadcast %broadcast_in_dim3A_209 : vector<1024x1xf32> to vector<1024x256xf32>
      %broadcast_in_dim3A_211 = vector.broadcast %jit3A_208 : f32 to vector<1024x256xf32>
      %select_n3A_212 = arith.select %eq3A_206, %broadcast_in_dim3A_210, %broadcast_in_dim3A_211 : vector<1024x256xi1>, vector<1024x256xf32>
      %add3A_213 = arith.addf %add3A_203, %select_n3A_212 : vector<1024x256xf32>
      %eq3A_214 = arith.constant 14 : i32
      %eq3A_215 = vector.broadcast %eq3A_214 : i32 to vector<1024x256xi32>
      %eq3A_216 = arith.cmpi eq, %select_n3A_72, %eq3A_215 : vector<1024x256xi32>
      %slice3A_217 = vector.extract_strided_slice %exp3A {offsets = [0, 14], sizes = [1024, 1], strides = [1, 1]} : vector<1024x16xf32> to vector<1024x1xf32>
      %jit3A_218 = arith.constant 0.000000e+00 : f32
      %broadcast_in_dim3A_219 = vector.shape_cast %slice3A_217 : vector<1024x1xf32> to vector<1024x1xf32>
      %broadcast_in_dim3A_220 = vector.broadcast %broadcast_in_dim3A_219 : vector<1024x1xf32> to vector<1024x256xf32>
      %broadcast_in_dim3A_221 = vector.broadcast %jit3A_218 : f32 to vector<1024x256xf32>
      %select_n3A_222 = arith.select %eq3A_216, %broadcast_in_dim3A_220, %broadcast_in_dim3A_221 : vector<1024x256xi1>, vector<1024x256xf32>
      %add3A_223 = arith.addf %add3A_213, %select_n3A_222 : vector<1024x256xf32>
      %eq3A_224 = arith.constant 15 : i32
      %eq3A_225 = vector.broadcast %eq3A_224 : i32 to vector<1024x256xi32>
      %eq3A_226 = arith.cmpi eq, %select_n3A_72, %eq3A_225 : vector<1024x256xi32>
      %slice3A_227 = vector.extract_strided_slice %exp3A {offsets = [0, 15], sizes = [1024, 1], strides = [1, 1]} : vector<1024x16xf32> to vector<1024x1xf32>
      %jit3A_228 = arith.constant 0.000000e+00 : f32
      %broadcast_in_dim3A_229 = vector.shape_cast %slice3A_227 : vector<1024x1xf32> to vector<1024x1xf32>
      %broadcast_in_dim3A_230 = vector.broadcast %broadcast_in_dim3A_229 : vector<1024x1xf32> to vector<1024x256xf32>
      %broadcast_in_dim3A_231 = vector.broadcast %jit3A_228 : f32 to vector<1024x256xf32>
      %select_n3A_232 = arith.select %eq3A_226, %broadcast_in_dim3A_230, %broadcast_in_dim3A_231 : vector<1024x256xi1>, vector<1024x256xf32>
      %add3A_233 = arith.addf %add3A_223, %select_n3A_232 : vector<1024x256xf32>
      %swap3A = arith.constant 0 : index
      %swap3A_234 = arith.constant 0 : index
      %swap3A_235 = vector.load %arg3[%swap3A, %swap3A_234] : memref<1024x256xf32, #tpu.memory_space<vmem>>, vector<1024x256xf32>
      tpu.vector_store %arg3[%swap3A, %swap3A_234], %add3A_233 {strides = array<i32>} : memref<1024x256xf32, #tpu.memory_space<vmem>>, vector<1024x256xf32>,
    } else {
    }
    return
  }
  func.func @transform_0(%arg0: i32) -> (i32, i32) {
    %c0_i32 = arith.constant 0 : i32
    %c0_i32_0 = arith.constant 0 : i32
    %c0_i32_1 = arith.constant 0 : i32
    return %c0_i32, %c0_i32_0 : i32, i32
  }
  func.func @transform_1(%arg0: i32) -> (i32, i32) {
    %c0_i32 = arith.constant 0 : i32
    %c0_i32_0 = arith.constant 0 : i32
    return %arg0, %c0_i32 : i32, i32
  }
  func.func @transform_2(%arg0: i32) -> (i32, i32) {
    %c0_i32 = arith.constant 0 : i32
    %c0_i32_0 = arith.constant 0 : i32
    %c0_i32_1 = arith.constant 0 : i32
    return %c0_i32, %c0_i32_0 : i32, i32
  }
  func.func @transform_3(%arg0: i32) -> (i32, i32) {
    %c0_i32 = arith.constant 0 : i32
    %c0_i32_0 = arith.constant 0 : i32
    %c0_i32_1 = arith.constant 0 : i32
    return %c0_i32, %c0_i32_0 : i32, i32
  }
  func.func @transform_4(%arg0: i32) -> (i32, i32) {
    %c0_i32 = arith.constant 0 : i32
    %c0_i32_0 = arith.constant 0 : i32
    %c0_i32_1 = arith.constant 0 : i32
    return %c0_i32, %c0_i32_0 : i32, i32
  }
}

</mosaic_0001>

<sc_bundles>
// kernel: kernel.4.cloned.1.call-start
scs
__scs_entry_jumppad:
0x0: {  	(pc) =	sbr.rel $0x88, $3  }
0x1: {  	(tag) =	ssettag $0x0;
	lr =	simm.s32 $0x1  }
0x2: {  	[smem:$0x3F9E] =	sst lr;
	_ =	strace $0xD0000000  }
0x3: {  	_ = 	snop  }
0x4: {  	_ = 	snop  }
0x5: {  	_ = 	snop  }
0x6: {  	_ = 	snop  }
0x7: {  	_ = 	snop  }
__scs_overlays_trampoline_lowered:
0x8: {  	[smem:$0x3FAD] =	sst s0  }
0x9: {  	[smem:$0x3FAE] =	sst s1  }
0xa: {  	[smem:$0x3FAF] =	sst s2  }
0xb: {  	[smem:$0x3FB0] =	sst s3  }
0xc: {  	[smem:$0x3FB1] =	sst s4  }
0xd: {  	[smem:$0x3FB2] =	sst s5  }
0xe: {  	[smem:$0x3FB3] =	sst s6  }
0xf: {  	[smem:$0x3FB4] =	sst s7  }
0x10: {  	[smem:$0x3FB5] =	sst s8  }
0x11: {  	[smem:$0x3FB6] =	sst s9;
	s0 =	simm.s32 @!p0 $0x0  }
0x12: {  	s1 =	sld [smem:$0x3F9C];
	s0 =	simm.s32 @p0 $0x1  }
0x13: {  	[smem:$0x3FB7] =	sst s0;
	s0 =	simm.s32 @!p1 $0x0  }
0x14: {  	s2 =	sld [smem:$0x3F9B];
	s0 =	simm.s32 @p1 $0x1  }
0x15: {  	[smem:$0x3FB8] =	sst s0;
	s0 =	simm.s32 @!p2 $0x0  }
0x16: {  	s3 =	sld [smem:$0x3FDB];
	s0 =	simm.s32 @p2 $0x1  }
0x17: {  	s4 =	simm.s32 $0x1BF5;
	[smem:$0x3FBA] =	sst s0  }
0x18: {  	s0 =	sld [smem:$0x3F9D];
	_ =	swait.ge [sflag:s4], $0x0  }
0x19: {  	s7 =	sld [smem:$0x3F9E]  }
0x1a: {  	s8 =	sadd.s32 $0xFFFFE003, lr  }
0x1b: {  	s9 =	sadd.s32 $0xFFFFFEF7, lr;
	s5 =	simm.s32 $0xFFFFFFFF;
	p2 =	slt.u32 s8, $0xFFFFF086  }
0x1c: {  	p1 =	slt.u32 s9, $0xF7A;
	s5 =	simm.s32 @!p2 $0x0  }
0x1d: {  	s5 =	simm.s32 @p1 $0x1;
	p0 =	seq.s32 s7, s2  }
0x1e: {  	s7 =	smul.u32 @!p0 $0xF7A, s2;
	p2 =	seq.s32 @!p0 s5, $0x0  }
0x1f: {  	s9 =	smul.u32 $0xF7A, s1;
	s8 =	simm.s32 @!p0 $0x1BF5;
	p2 =	por !p2, p0  }
0x20: {  	[sflag:s8] =	ssyncset.s32 @!p0 $0xFFFFF086;
	s6 =	sadd.s32 @!p0 s3, s7;
	s7 =	simm.s32 @!p0 $0x108  }
0x21: {  	s3 =	sadd.s32 s3, s9;
	s6 =	sadd.s32 @!p0 $0x88, s6;
	s7 =	simm.s32 @p2 $0x1082  }
0x22: {  	[simem:s7], [sflag:s8] =	dma.local @!p0 [hbm:s6], $0xF7A  }
0x23: {  	s9 =	sor.u32 $0xD0000000, s2;
	s6 =	simm.s32 $0x108;
	_ =	swait.ge @!p0 [sflag:s8], $0x0  }
0x24: {  	s3 =	sadd.s32 $0x88, s3;
	s6 =	simm.s32 @!p1 $0x1082;
	[sflag:s4] =	ssyncset.s32 $0xFFFFF086  }
0x25: {  	[simem:s6], [sflag:s4] =	dma.local [hbm:s3], $0xF7A  }
0x26: {  	[smem:$0x3F9E] =	sst s1;
	(tag) =	ssettag s2;
	_ =	strace s9  }
0x27: {  	s1 =	sld [smem:$0x3FAE]  }
0x28: {  	s2 =	sld [smem:$0x3FAF]  }
0x29: {  	s4 =	sld [smem:$0x3FB1]  }
0x2a: {  	p0 =	seq.s32 s5, $0x0;
	s5 =	sld [smem:$0x3FB2]  }
0x2b: {  	s6 =	sld [smem:$0x3FB3]  }
0x2c: {  	s7 =	sld [smem:$0x3FB4]  }
0x2d: {  	s3 =	simm.s32 $0x108;
	s8 =	sld [smem:$0x3FB5]  }
0x2e: {  	s3 =	simm.s32 @!p0 $0x1082;
	s9 =	sld [smem:$0x3FB6]  }
0x2f: {  	lr =	sadd.s32 s0, s3;
	s0 =	sld [smem:$0x3FAD]  }
0x30: {  	s3 =	sld [smem:$0x3FB0]  }
0x31: {  	[smem:$0x3FB9] =	sst s10  }
0x32: {  	s10 =	sld [smem:$0x3FB7];
	_ =	sdelay $0x3  }
0x33: {  	p0 =	seq.s32 s10, $0x1;
	s10 =	sld [smem:$0x3FB9];
	_ =	sdelay $0x3  }
0x34: {  	[smem:$0x3FB9] =	sst s10  }
0x35: {  	s10 =	sld [smem:$0x3FB8];
	_ =	sdelay $0x3  }
0x36: {  	p1 =	seq.s32 s10, $0x1;
	s10 =	sld [smem:$0x3FB9];
	_ =	sdelay $0x3  }
0x37: {  	[smem:$0x3FB9] =	sst s10  }
0x38: {  	s10 =	sld [smem:$0x3FBA]  }
0x39: {  	_ = 	snop;
	(pc) =	sbr.ind lr, $3  }
0x3a: {  	_ = 	snop  }
0x3b: {  	_ = 	snop  }
0x3c: {  	p2 =	seq.s32 s10, $0x1;
	s10 =	sld [smem:$0x3FB9]  }
0x3d: {  	_ =	shalt  }
0x3e: {  	_ =	shalt  }
0x3f: {  	_ =	shalt  }
0x40: {  	_ =	shalt  }
0x41: {  	_ =	shalt  }
0x42: {  	_ =	shalt  }
0x43: {  	_ =	shalt  }
0x44: {  	_ =	shalt  }
0x45: {  	_ =	shalt  }
0x46: {  	_ =	shalt  }
0x47: {  	_ =	shalt  }
0x48: {  	_ =	shalt  }
0x49: {  	_ =	shalt  }
0x4a: {  	_ =	shalt  }
0x4b: {  	_ =	shalt  }
0x4c: {  	_ =	shalt  }
0x4d: {  	_ =	shalt  }
0x4e: {  	_ =	shalt  }
0x4f: {  	_ =	shalt  }
0x50: {  	_ =	shalt  }
0x51: {  	_ =	shalt  }
0x52: {  	_ =	shalt  }
0x53: {  	_ =	shalt  }
0x54: {  	_ =	shalt  }
0x55: {  	_ =	shalt  }
0x56: {  	_ =	shalt  }
0x57: {  	_ =	shalt  }
0x58: {  	_ =	shalt  }
0x59: {  	_ =	shalt  }
0x5a: {  	_ =	shalt  }
0x5b: {  	_ =	shalt  }
0x5c: {  	_ =	shalt  }
0x5d: {  	_ =	shalt  }
0x5e: {  	_ =	shalt  }
0x5f: {  	_ =	shalt  }
0x60: {  	_ =	shalt  }
0x61: {  	_ =	shalt  }
0x62: {  	_ =	shalt  }
0x63: {  	_ =	shalt  }
0x64: {  	_ =	shalt  }
0x65: {  	_ =	shalt  }
0x66: {  	_ =	shalt  }
0x67: {  	_ =	shalt  }
0x68: {  	_ =	shalt  }
0x69: {  	_ =	shalt  }
0x6a: {  	_ =	shalt  }
0x6b: {  	_ =	shalt  }
0x6c: {  	_ =	shalt  }
0x6d: {  	_ =	shalt  }
0x6e: {  	_ =	shalt  }
0x6f: {  	_ =	shalt  }
0x70: {  	_ =	shalt  }
0x71: {  	_ =	shalt  }
0x72: {  	_ =	shalt  }
0x73: {  	_ =	shalt  }
0x74: {  	_ =	shalt  }
0x75: {  	_ =	shalt  }
0x76: {  	_ =	shalt  }
0x77: {  	_ =	shalt  }
0x78: {  	_ =	shalt  }
0x79: {  	_ =	shalt  }
0x7a: {  	_ =	shalt  }
0x7b: {  	_ =	shalt  }
0x7c: {  	_ =	shalt  }
0x7d: {  	_ =	shalt  }
0x7e: {  	_ =	shalt  }
0x7f: {  	_ =	shalt  }
0x80: {  	_ =	shalt  }
0x81: {  	_ =	shalt  }
0x82: {  	_ =	shalt  }
0x83: {  	_ =	shalt  }
0x84: {  	_ =	shalt  }
0x85: {  	_ =	shalt  }
0x86: {  	_ =	shalt  }
0x87: {  	_ =	shalt  }
.Lfunc_end0:
.L_simem_size_0:
called_computation_lowered:
.L_overlay_start_0:
0x88: {  	s2 =	sld [smem:$0x3FD9]  }
0x89: {  	s3 =	sld [smem:$0x3FFE];
	_ =	sdelay $0x1  }
0x8a: {  	s1 =	srdreg.scid  }
0x8b: {  	s0 =	sand.u32 $0x1, s1  }
0x8c: {  	s17 =	sshll.u32 s0, $0xA;
	s2 =	sadd.s32 s3, s2  }
0x8d: {  	s2 =	sadd.s32 s2, s17  }
0x8e: {  	[smem:$0x3FC5] =	sst s2  }
0x8f: {  	_ = 	snop  }
0x90: {  	s2 =	sld [smem:$0x3FD0];
	(tm) =	ssettm $0x1  }
0x91: {  	s18 =	sld [smem:$0x3FFB];
	_ =	sdelay $0x3  }
0x92: {  	_ =	strace s18  }
0x93: {  	s3 =	sld [smem:$0x3FFC];
	_ =	sdelay $0x3  }
0x94: {  	_ =	strace s3  }
0x95: {  	s3 =	sld [smem:$0x3FFD];
	_ =	sdelay $0x3  }
0x96: {  	_ =	strace s3  }
0x97: {  	_ =	strace $0x8FFFFFFF  }
0x98: {  	s19 =	sld [smem:$0x3FDB];
	_ =	sdelay $0x1  }
0x99: {  	s4 =	simm.s32 $_scs_section_size  }
0x9a: {  	s5 =	simm.s32 $_size__tile_overlayer_lowered;
	s6 =	simm.s32 $_tile_overlayer_lowered  }
0x9b: {  	s22 =	simm.s32 $0x1BFF;
	s21 =	sshll.u32 s6, $0x1;
	s3 =	sadd.s32 s4, s19  }
0x9c: {  	s7 =	simm.s32 $0x0;
	s20 =	sshll.u32 s5, $0x1;
	s5 =	sadd.s32 s21, s3  }
0x9d: {  	[timem:s7], [sflag:s22] =	dma.local [hbm:s5], s20  }
0x9e: {  	_ =	swait.ge [sflag:s22], s20  }
0x9f: {  	s4 =	ssub.s32 $0x0, s20;
	[sflag:s22] =	ssyncset.done $0x0  }
0xa0: {  	[sflag:s22] =	ssyncadd.s32 s4;
	_ =	sdelay $0x1  }
0xa1: {  	s23 =	simm.s32 $0x1B8B  }
0xa2: {  	_ =	swait.ge [sflag:s23], $0x1  }
0xa3: {  	[sflag:s23] =	ssyncset.done $0x0  }
0xa4: {  	s25 =	simm.s32 $0x1B8E;
	s24 =	sld [smem:$0x3FFE];
	[sflag:s23] =	ssyncadd.s32 $0xFFFFFFFF  }
0xa5: {  	s26 =	simm.s32 $execute0_lowered;
	[smem:$0x3FD2] =	sst s25  }
0xa6: {  	s5 =	sshll.u32 s26, $0x1;
	_ =	strace $0x80000046;
	[dreg:$0x1] =	wrdreg $0xFFFFFFFF  }
0xa7: {  	s28 =	simm.s32 $_size_execute0_lowered;
	s3 =	sadd.s32 s3, s5;
	[dreg:$0x0] =	wrdreg $0x0  }
0xa8: {  	s5 =	sshll.u32 s28, $0x1;
	[dreg:$0x2] =	wrdreg s3  }
0xa9: {  	[dreg:$0x3] =	wrdreg s5  }
0xaa: {  	[dreg:$0x4] =	wrdreg $0xC0  }
0xab: {  	_ =	task [dreg:s7], $0x5FFFF  }
0xac: {  	[dreg:$0x1] =	wrdreg $0xFFFFFFFF  }
0xad: {  	[dreg:$0x0] =	wrdreg $0x60  }
0xae: {  	[dreg:$0x2] =	wrdreg s24  }
0xaf: {  	[dreg:$0x3] =	wrdreg s2  }
0xb0: {  	[dreg:$0x4] =	wrdreg $0x9  }
0xb1: {  	_ =	task.clear_ibuf [dreg:s7], $0x5FFFF;
	_ =	strace $0x90000046  }
0xb2: {  	s29 =	simm.s32 $0x9;
	_ =	strace $0x80000048  }
0xb3: {  	_ =	swait.ge [sflag:s29], $0x1  }
0xb4: {  	[sflag:s29] =	ssyncadd.s32 $0xFFFFFFFF  }
0xb5: {  	_ =	strace $0x90000048  }
0xb6: {  	_ =	sfence  }
0xb7: {  	s30 =	sld [smem:$0x0];
	_ =	sdelay $0x2  }
0xb8: {  	s31 =	sshll.u32 s1, $0xD;
	s1 =	sshrl.u32 s1, $0x2  }
0xb9: {  	s3 =	sand.u32 $0x4000, s31;
	s1 =	sadd.s32 s1, s30  }
0xba: {  	s0 =	sor.u32 s3, s0;
	s1 =	sshll.u32 s1, $0x11  }
0xbb: {  	s0 =	sor.u32 s1, s0  }
0xbc: {  	s0 =	sadd.s32 $0x8F2B, s0  }
0xbd: {  	[sflag:s0] =	ssyncadd.remote.s32 $0x1  }
0xbe: {  	_ =	sfence.sel $0xFFFF  }
0xbf: {  	[dreg:$0x0] =	wrdreg $0xFFFFFFFF;
	(pc) =	sbr.abs _section_cstart, $3  }
0xc0: {  	[dreg:$0x1] =	wrdreg $0xFFFFFFFF  }
0xc1: {  	_ =	task.clear_ibuf [dreg:s7], $0x2FFFF;
	_ =	strace $0x9FFFFFFF  }
0xc2: {  	(tm) =	ssettm $0x7FFFFFFF  }
0xc3: {  	_ =	shalt  }
tec
execute0_lowered:
.L_overlay_start_1:
0x0: {  	(tag) =	ssettag $0x1  }
0x1: {  	s4 =	rddreg [dreg:$0x0]  }
0x2: {  	s6 =	rddreg [dreg:$0x1]  }
0x3: {  	s0 =	rddreg [dreg:$0x2]  }
0x4: {  	s2 =	simm.s32 $0x0;
	s3 =	srdreg.scid;
	s1 =	stileid.u32  }
0x5: {  	s11 =	simm.s32 $0x2200;
	s12 =	simm.s32 $0x4200;
	s13 =	simm.s32 $0x100  }
0x6: {  	s14 =	simm.s32 $0x6200;
	s15 =	simm.s32 $0x180;
	s16 =	simm.s32 $0x8200  }
0x7: {  	s17 =	simm.s32 $0x1;
	s18 =	simm.s32 $0xA200;
	s19 =	simm.s32 $0x0  }
0x8: {  	[smem:$0x7FF] =	sst s2;
	s5 =	sand.u32 $0x1, s3;
	s7 =	sshll.u32 s1, $0x1  }
0x9: {  	s3 =	sadd.s32 $0x191600, s4;
	_ =	strace $0x80000047;
	s7 =	sor.u32 s5, s7  }
0xa: {  	s5 =	ssub.s32 $0x2, s5;
	s8 =	sshll.u32 s7, $0x6;
	s9 =	sshll.u32 s7, $0xA  }
0xb: {  	s31 =	sshrl.u32 s5, $0x1;
	s7 =	sshll.u32 s7, $0x8;
	s8 =	sadd.s32 s8, s4  }
0xc: {  	s9 =	sadd.s32 s9, s4;
	s10 =	ssub.s32 s5, s31;
	s6 =	sadd.s32 s6, s7  }
0xd: {  	s4 =	sadd.s32 $0xA400, s8;
	s5 =	sadd.s32 $0x2400, s9;
	s7 =	smax.u32 s10, $0x1  }
0xe: {  	s8 =	simm.s32 $0x2;
	s9 =	simm.s32 $0x200;
	s10 =	simm.s32 $0x80  }
.LBB2_1:
0xf: {  	[tilespmem:s2], [sflag:$0x2] =	stream.linear.gather [hbm4b:s4+s2], $0x200, $0x38;
	[tilespmem:$0xAA00] =	vst v63  }
0x10: {  	_ =	swait.ge [sflag:s8], $0x200  }
0x11: {  	[sflag:s8] =	ssyncset.done $0x0  }
0x12: {  	[sflag:s8] =	ssyncadd.s32 $0xFFFFFE00  }
0x13: {  	[tilespmem:s9], [sflag:$0x2] =	stream.linear.gather [hbm4b:s5+s2], $0x2000, $0x38;
	[tilespmem:$0xAA00] =	vst v63  }
0x14: {  	_ =	swait.ge [sflag:s8], $0x2000  }
0x15: {  	[sflag:s8] =	ssyncset.done $0x0  }
0x16: {  	[sflag:s8] =	ssyncadd.s32 $0xFFFFE000  }
0x17: {  	[tilespmem:s11], [sflag:$0x1] =	stream.indirect.gather [hbm4b:s3+s10], $0x40, s2, s10, $0xb8;
	[tilespmem:$0xAA00] =	vst v63  }
0x18: {  	_ = 	snop  }
0x19: {  	[tilespmem:s12], [sflag:$0x1] =	stream.indirect.gather [hbm4b:s3+s10], $0x40, s10, s10, $0xb8;
	[tilespmem:$0xAA00] =	vst v63  }
0x1a: {  	_ = 	snop  }
0x1b: {  	[tilespmem:s14], [sflag:$0x1] =	stream.indirect.gather [hbm4b:s3+s10], $0x40, s13, s10, $0xb8;
	[tilespmem:$0xAA00] =	vst v63  }
0x1c: {  	_ = 	snop  }
0x1d: {  	[tilespmem:s16], [sflag:$0x1] =	stream.indirect.gather [hbm4b:s3+s10], $0x40, s15, s10, $0xb8;
	[tilespmem:$0xAA00] =	vst v63  }
0x1e: {  	_ =	swait.ge [sflag:s17], $0x2000  }
0x1f: {  	[sflag:s17] =	ssyncset.done $0x0  }
0x20: {  	[sflag:s17] =	ssyncadd.s32 $0xFFFFE000  }
0x21: {  	_ =	swait.ge [sflag:s17], $0x2000  }
0x22: {  	[sflag:s17] =	ssyncset.done $0x0  }
0x23: {  	[sflag:s17] =	ssyncadd.s32 $0xFFFFE000  }
0x24: {  	_ =	swait.ge [sflag:s17], $0x2000  }
0x25: {  	[sflag:s17] =	ssyncset.done $0x0  }
0x26: {  	[sflag:s17] =	ssyncadd.s32 $0xFFFFE000  }
0x27: {  	_ =	swait.ge [sflag:s17], $0x2000  }
0x28: {  	s20 =	simm.s32 $0x2400;
	[sflag:s17] =	ssyncset.done $0x0  }
0x29: {  	s21 =	simm.s32 $0x280;
	s22 =	simm.s32 $0x0;
	[sflag:s17] =	ssyncadd.s32 $0xFFFFE000  }
.LBB2_2:
0x2a: {  	v0 =	vld [tilespmem:s21+$0xFFFFFF80]  }
0x2b: {  	v1 =	vld [tilespmem:s20+$0xFFFFFE00]  }
0x2c: {  	v2 =	vld [tilespmem:s20+$0xFFFFFE10]  }
0x2d: {  	v3 =	vld [tilespmem:s20+$0xFFFFFE20]  }
0x2e: {  	v4 =	vld [tilespmem:s20+$0xFFFFFE30]  }
0x2f: {  	v5 =	vld [tilespmem:s21+$0xFFFFFF90]  }
0x30: {  	v6 =	vld [tilespmem:s20+$0xFFFFFE40]  }
0x31: {  	v7 =	vld [tilespmem:s20+$0xFFFFFE50]  }
0x32: {  	v8 =	vld [tilespmem:s20+$0xFFFFFE60]  }
0x33: {  	v9 =	vld [tilespmem:s20+$0xFFFFFE70]  }
0x34: {  	v10 =	vld [tilespmem:s21+$0xFFFFFFA0]  }
0x35: {  	v11 =	vld [tilespmem:s20+$0xFFFFFE80]  }
0x36: {  	v12 =	vld [tilespmem:s20+$0xFFFFFE90]  }
0x37: {  	v13 =	vld [tilespmem:s20+$0xFFFFFEA0]  }
0x38: {  	v14 =	vld [tilespmem:s20+$0xFFFFFEB0]  }
0x39: {  	v15 =	vld [tilespmem:s21+$0xFFFFFFB0]  }
0x3a: {  	v16 =	vld [tilespmem:s20+$0xFFFFFEC0]  }
0x3b: {  	v17 =	vld [tilespmem:s20+$0xFFFFFED0]  }
0x3c: {  	v18 =	vld [tilespmem:s20+$0xFFFFFEE0]  }
0x3d: {  	v19 =	vld [tilespmem:s20+$0xFFFFFEF0]  }
0x3e: {  	v20 =	vld [tilespmem:s21+$0xFFFFFFC0]  }
0x3f: {  	v21 =	vld [tilespmem:s20+$0xFFFFFF00]  }
0x40: {  	v22 =	vld [tilespmem:s20+$0xFFFFFF10]  }
0x41: {  	v23 =	vld [tilespmem:s20+$0xFFFFFF20]  }
0x42: {  	v24 =	vld [tilespmem:s20+$0xFFFFFF30]  }
0x43: {  	v25 =	vld [tilespmem:s21+$0xFFFFFFD0]  }
0x44: {  	v26 =	vld [tilespmem:s20+$0xFFFFFF40]  }
0x45: {  	v27 =	vld [tilespmem:s20+$0xFFFFFF50]  }
0x46: {  	v28 =	vld [tilespmem:s20+$0xFFFFFF60]  }
0x47: {  	v29 =	vld [tilespmem:s20+$0xFFFFFF70]  }
0x48: {  	v30 =	vld [tilespmem:s21+$0xFFFFFFE0]  }
0x49: {  	v31 =	vld [tilespmem:s20+$0xFFFFFF80]  }
0x4a: {  	v32 =	vld [tilespmem:s20+$0xFFFFFF90]  }
0x4b: {  	v33 =	vld [tilespmem:s20+$0xFFFFFFA0]  }
0x4c: {  	v34 =	vld [tilespmem:s20+$0xFFFFFFB0]  }
0x4d: {  	v35 =	vld [tilespmem:s21+$0xFFFFFFF0]  }
0x4e: {  	v36 =	vld [tilespmem:s20+$0xFFFFFFC0]  }
0x4f: {  	v37 =	vld [tilespmem:s20+$0xFFFFFFD0]  }
0x50: {  	v38 =	vld [tilespmem:s20+$0xFFFFFFE0];
	v1 =	vmul.f32 v1, v0;
	v2 =	vmul.f32 v2, v0  }
0x51: {  	v39 =	vld [tilespmem:s20+$0xFFFFFFF0];
	v3 =	vmul.f32 v3, v0;
	v0 =	vmul.f32 v4, v0  }
0x52: {  	v40 =	vld [tilespmem:s21+$0x0];
	v6 =	vmul.f32 v6, v5;
	v7 =	vmul.f32 v7, v5  }
0x53: {  	v41 =	vld [tilespmem:s20+$0x0];
	v8 =	vmul.f32 v8, v5;
	v5 =	vmul.f32 v9, v5  }
0x54: {  	v42 =	vld [tilespmem:s20+$0x10];
	v61 =	vmul.f32 v11, v10;
	v62 =	vmul.f32 v12, v10  }
0x55: {  	v43 =	vld [tilespmem:s20+$0x20];
	v63 =	vmul.f32 v13, v10;
	v10 =	vmul.f32 v14, v10  }
0x56: {  	v60 =	vld [tilespmem:s20+$0x30];
	v16 =	vmul.f32 v16, v15;
	v17 =	vmul.f32 v17, v15  }
0x57: {  	v44 =	vld [tilespmem:s21+$0x10];
	v18 =	vmul.f32 v18, v15;
	v19 =	vmul.f32 v19, v15  }
0x58: {  	v46 =	vld [tilespmem:s20+$0xF0];
	v21 =	vmul.f32 v21, v20;
	v22 =	vmul.f32 v22, v20  }
0x59: {  	v48 =	vld [tilespmem:s21+$0x40];
	v23 =	vmul.f32 v23, v20;
	v24 =	vmul.f32 v24, v20  }
0x5a: {  	v51 =	vld [tilespmem:s20+$0x100];
	v26 =	vmul.f32 v26, v25;
	v27 =	vmul.f32 v27, v25  }
0x5b: {  	v54 =	vld [tilespmem:s20+$0x110];
	v28 =	vmul.f32 v28, v25;
	v29 =	vmul.f32 v29, v25  }
0x5c: {  	v56 =	vld [tilespmem:s20+$0x120];
	v31 =	vmul.f32 v31, v30;
	v32 =	vmul.f32 v32, v30  }
0x5d: {  	v58 =	vld [tilespmem:s20+$0x130];
	v45 =	vmul.f32 v33, v30;
	v47 =	vmul.f32 v34, v30  }
0x5e: {  	v9 =	vld [tilespmem:s20+$0x40];
	v49 =	vmul.f32 v36, v35;
	v50 =	vmul.f32 v37, v35  }
0x5f: {  	v13 =	vld [tilespmem:s21+$0x20];
	v52 =	vmul.f32 v38, v35;
	v53 =	vmul.f32 v39, v35;
	v1 =	vadd.f32 $0.0e+00, v1  }
0x60: {  	v15 =	vld [tilespmem:s20+$0xA0];
	v55 =	vmul.f32 v41, v40;
	v2 =	vadd.f32 $0.0e+00, v2;
	v3 =	vadd.f32 $0.0e+00, v3  }
0x61: {  	v14 =	vld [tilespmem:s21+$0x30];
	v57 =	vmul.f32 v42, v40;
	v0 =	vadd.f32 $0.0e+00, v0;
	v1 =	vadd.f32 v6, v1  }
0x62: {  	v11 =	vld [tilespmem:s20+$0x70];
	v59 =	vmul.f32 v43, v40;
	v2 =	vadd.f32 v7, v2;
	v3 =	vadd.f32 v8, v3  }
0x63: {  	v12 =	vld [tilespmem:s20+$0x90];
	v4 =	vmul.f32 v60, v40;
	v0 =	vadd.f32 v5, v0;
	v1 =	vadd.f32 v61, v1  }
0x64: {  	v43 =	vmul.f32 v51, v48;
	v7 =	vld [tilespmem:s20+$0x50];
	v2 =	vadd.f32 v62, v2;
	v3 =	vadd.f32 v63, v3  }
0x65: {  	v8 =	vld [tilespmem:s20+$0x60];
	v33 =	vmul.f32 v15, v13;
	v0 =	vadd.f32 v10, v0;
	v1 =	vadd.f32 v16, v1  }
0x66: {  	v41 =	vmul.f32 v46, v14;
	v10 =	vld [tilespmem:s20+$0x80];
	v2 =	vadd.f32 v17, v2;
	v3 =	vadd.f32 v18, v3  }
0x67: {  	v60 =	vld [tilespmem:s21+$0x50];
	v46 =	vmul.f32 v56, v48;
	v0 =	vadd.f32 v19, v0;
	v1 =	vadd.f32 v21, v1  }
0x68: {  	v35 =	vld [tilespmem:s21+$0x60];
	v61 =	vmul.f32 v9, v44;
	v2 =	vadd.f32 v22, v2;
	v3 =	vadd.f32 v23, v3  }
0x69: {  	v42 =	vld [tilespmem:s20+$0x1A0];
	v7 =	vmul.f32 v7, v44;
	v0 =	vadd.f32 v24, v0;
	v1 =	vadd.f32 v26, v1  }
0x6a: {  	v17 =	vld [tilespmem:s20+$0xB0];
	v63 =	vmul.f32 v8, v44;
	v2 =	vadd.f32 v27, v2;
	v3 =	vadd.f32 v28, v3  }
0x6b: {  	v16 =	vld [tilespmem:s20+$0xC0];
	v30 =	vmul.f32 v10, v13;
	v0 =	vadd.f32 v29, v0;
	v1 =	vadd.f32 v31, v1  }
0x6c: {  	v19 =	vld [tilespmem:s20+$0xD0];
	v28 =	vmul.f32 v11, v44;
	v44 =	vmul.f32 v54, v48;
	v2 =	vadd.f32 v32, v2  }
0x6d: {  	v37 =	vld [tilespmem:s20+$0x180];
	v48 =	vmul.f32 v58, v48;
	v3 =	vadd.f32 v45, v3;
	v1 =	vadd.f32 v49, v1  }
0x6e: {  	v21 =	vld [tilespmem:s20+$0xE0];
	v58 =	vmul.f32 v42, v35;
	v0 =	vadd.f32 v47, v0;
	v2 =	vadd.f32 v50, v2  }
0x6f: {  	v62 =	vld [tilespmem:s20+$0x140];
	v34 =	vmul.f32 v17, v13;
	v3 =	vadd.f32 v52, v3;
	v1 =	vadd.f32 v55, v1  }
0x70: {  	v27 =	vld [tilespmem:s20+$0x150];
	v36 =	vmul.f32 v16, v14;
	v0 =	vadd.f32 v53, v0;
	v2 =	vadd.f32 v57, v2  }
0x71: {  	v29 =	vld [tilespmem:s20+$0x160];
	v38 =	vmul.f32 v19, v14;
	v3 =	vadd.f32 v59, v3;
	v1 =	vadd.f32 v61, v1  }
0x72: {  	v39 =	vld [tilespmem:s20+$0x190];
	v31 =	vmul.f32 v12, v13;
	v0 =	vadd.f32 v4, v0;
	v2 =	vadd.f32 v7, v2  }
0x73: {  	v32 =	vld [tilespmem:s20+$0x170];
	v40 =	vmul.f32 v21, v14;
	v3 =	vadd.f32 v63, v3;
	v1 =	vadd.f32 v30, v1  }
0x74: {  	v45 =	vld [tilespmem:s20+$0x1B0];
	v50 =	vmul.f32 v62, v60;
	v0 =	vadd.f32 v28, v0;
	v2 =	vadd.f32 v31, v2  }
0x75: {  	v47 =	vld [tilespmem:s21+$0x70];
	v6 =	vmul.f32 v27, v60;
	v3 =	vadd.f32 v33, v3;
	v1 =	vadd.f32 v36, v1  }
0x76: {  	v49 =	vld [tilespmem:s20+$0x1C0];
	v52 =	vmul.f32 v29, v60;
	v0 =	vadd.f32 v34, v0;
	v2 =	vadd.f32 v38, v2  }
0x77: {  	v51 =	vld [tilespmem:s20+$0x1D0];
	v55 =	vmul.f32 v37, v35;
	v3 =	vadd.f32 v40, v3;
	v1 =	vadd.f32 v43, v1  }
0x78: {  	v54 =	vld [tilespmem:s20+$0x1E0];
	v57 =	vmul.f32 v39, v35;
	v0 =	vadd.f32 v41, v0;
	v2 =	vadd.f32 v44, v2  }
0x79: {  	v56 =	vld [tilespmem:s20+$0x1F0];
	v53 =	vmul.f32 v32, v60;
	v3 =	vadd.f32 v46, v3;
	v1 =	vadd.f32 v50, v1  }
0x7a: {  	v60 =	vmul.f32 v45, v35;
	v0 =	vadd.f32 v48, v0;
	v2 =	vadd.f32 v6, v2  }
0x7b: {  	v59 =	vmul.f32 v49, v47;
	v3 =	vadd.f32 v52, v3;
	v1 =	vadd.f32 v55, v1  }
0x7c: {  	v61 =	vmul.f32 v51, v47;
	v0 =	vadd.f32 v53, v0;
	v2 =	vadd.f32 v57, v2  }
0x7d: {  	p0 =	sne.s32 s22, $0x1F00;
	v62 =	vmul.f32 v54, v47;
	v3 =	vadd.f32 v58, v3;
	v1 =	vadd.f32 v59, v1  }
.Ltmp0:
0x7e: {  	s23 =	sshra.s32 s22, $0x2;
	v63 =	vmul.f32 v56, v47;
	v0 =	vadd.f32 v60, v0;
	v2 =	vadd.f32 v61, v2;
	(pc) =	sbr.rel @p0 .LBB2_2-.Ltmp0, $4  }
0x7f: {  	v3 =	vadd.f32 v62, v3;
	[tilespmem:s23+$0xA200] =	vst v1  }
0x80: {  	v0 =	vadd.f32 v63, v0;
	[tilespmem:s23+$0xA210] =	vst v2  }
0x81: {  	[tilespmem:s23+$0xA220] =	vst v3  }
0x82: {  	s22 =	sadd.s32 $0x100, s22;
	s21 =	sadd.s32 $0x100, s21;
	s20 =	sadd.s32 $0x400, s20;
	[tilespmem:s23+$0xA230] =	vst v0  }
0x83: {  	s19 =	sadd.s32 $0x1, s19  }
0x84: {  	p0 =	sne.s32 s19, s7  }
.Ltmp1:
0x85: {  	_ = 	snop;
	(pc) =	sbr.rel @p0 .LBB2_1-.Ltmp1, $4  }
0x86: {  	[hbm4b:s6+s2] =	stream.linear.scatter [tilespmem:s18], [sflag:$0x2], $0x800, $0x38;
	[tilespmem:$0xAA00] =	vst v63  }
0x87: {  	_ =	swait.ge [sflag:s8], $0x800  }
0x88: {  	[sflag:s8] =	ssyncset.done $0x0  }
0x89: {  	[sflag:s8] =	ssyncadd.s32 $0xFFFFF800  }
0x8a: {  	_ =	sfence.sel $0x180000  }
0x8b: {  	[bflag:$0x0] =	sbarrier.arrive $0xFFFF  }
0x8c: {  	p0 =	sne.s32 s1, $0x0;
	_ =	strace $0x90000047  }
0x8d: {  	s0 =	sadd.s32 @!p0 $0x100000, s0;
	[bflag:$0x2] =	sbarrier.arrive $0xFFFF  }
0x8e: {  	[sflag:s0] =	ssyncadd.tile.s32 @!p0 $0x1;
	_ =	shalt  }
.Lfunc_end2:
_tile_overlayer_lowered:
.L_overlay_start_2:
0x8f: {  	(tag) =	ssettag $0x2  }
0x90: {  	s0 =	rddreg [dreg:$0x0];
	s2 =	stileid.u32  }
0x91: {  	s1 =	rddreg [dreg:$0x1];
	p0 =	sne.s32 s2, $0x0  }
0x92: {  	s3 =	rddreg [dreg:$0x2];
	[bflag:$0x3] =	sbarrier.arrive $0xFFFF;
	s2 =	simm.s32 @!p0 $0x1C02  }
0x93: {  	[timem:s3], [sflag:s2] =	dma.local @!p0 [hbm:s0], s1  }
0x94: {  	s0 =	simm.s32 @!p0 $0x2  }
0x95: {  	_ =	swait.ge @!p0 [sflag:s0], s1  }
0x96: {  	s1 =	ssub.s32 @!p0 $0x0, s1;
	[sflag:s0] =	ssyncset.done @!p0 $0x0  }
0x97: {  	[sflag:s0] =	ssyncadd.s32 @!p0 s1  }
0x98: {  	[bflag:$0x3] =	sbarrier.arrive $0xFFFF  }
0x99: {  	_ =	shalt  }

</sc_bundles>
